<compile_context>
chip_gen: v7x
topology: tpu7x:2x2x1
jax: 0.10.2.dev20260603
libtpu: 0.0.44.dev20260713+nightly
codegen_flags: <defaults>
</compile_context>

<pallas_src>
import functools

import jax
import jax.numpy as jnp
from jax import lax
from jax.experimental import pallas as pl
from jax.experimental.pallas import tpu as pltpu
from jax.experimental.pallas import tpu_sc as plsc

B = 32768
D = 4096
E = 64
K = 8
TB = 512

NC, NS, L = 2, 16, 16
NW = NC * NS
TOKW = B // NW
CH = 2


def _router_body(f_ref, w_ref, b_ref, idx_ref, wt_ref):
    f = f_ref[...]
    st = jax.lax.dot_general(
        w_ref[...], f, (((1,), (1,)), ((), ())), preferred_element_type=jnp.float32
    ) + b_ref[...]

    iota_e = lax.broadcasted_iota(jnp.int32, (E, TB), 0)
    work = st
    vals, idxs = [], []
    for _ in range(K):
        m = jnp.max(work, axis=0, keepdims=True)
        sel = work >= m
        am = jnp.min(jnp.where(sel, iota_e, E), axis=0, keepdims=True)
        vals.append(m)
        idxs.append(am)
        work = jnp.where(sel, -jnp.inf, work)
    v = jnp.concatenate(vals, axis=0)
    ix = jnp.concatenate(idxs, axis=0)
    ex = jnp.exp(v - v[0:1])
    wt_ref[...] = ex / jnp.sum(ex, axis=0, keepdims=True)
    idx_ref[...] = ix


def _tc_router(features, W_attn, b_attn):
    grid = (B // TB,)
    return pl.pallas_call(
        _router_body,
        grid=grid,
        in_specs=[
            pl.BlockSpec((TB, D), lambda i: (i, 0)),
            pl.BlockSpec((E, D), lambda i: (0, 0)),
            pl.BlockSpec((E, 1), lambda i: (0, 0)),
        ],
        out_specs=[
            pl.BlockSpec((K, TB), lambda i: (0, i)),
            pl.BlockSpec((K, TB), lambda i: (0, i)),
        ],
        out_shape=[
            jax.ShapeDtypeStruct((K, B), jnp.int32),
            jax.ShapeDtypeStruct((K, B), jnp.float32),
        ],
        compiler_params=pltpu.CompilerParams(
            dimension_semantics=("arbitrary",),
        ),
    )(features, W_attn, b_attn.reshape(E, 1))


CW = 512


def _sc_combine_body(feat_hbm, idx_hbm, w_hbm, lora_hbm, out_hbm,
                     idx_v, w_v, rows_v, f_v, o_v, sem):
    wid = lax.axis_index("s") * NC + lax.axis_index("c")
    base_tok = wid * TOKW

    def chunk(c, carry):
        tok = base_tok + c * CH
        pltpu.sync_copy(idx_hbm.at[pl.ds(tok * K, CH * K)], idx_v)
        pltpu.sync_copy(w_hbm.at[pl.ds(tok * K, CH * K)], w_v)
        pltpu.async_copy(lora_hbm.at[idx_v], rows_v, sem).wait()
        pltpu.sync_copy(feat_hbm.at[pl.ds(tok, CH)], f_v)
        w_all = w_v[...]

        def col(j, carry2):
            sl = pl.ds(j * CW, CW)
            for t in range(CH):
                acc = f_v[t, sl]
                for k in range(K):
                    acc = acc + w_all[t * K + k] * rows_v[t * K + k, sl]
                o_v[t, sl] = acc
            return carry2

        lax.fori_loop(0, D // CW, col, 0)
        pltpu.sync_copy(o_v, out_hbm.at[pl.ds(tok, CH)])
        return carry

    lax.fori_loop(0, TOKW // CH, chunk, 0)


def _sc_combine(features, idx_flat, w_flat, lora_ranks):
    mesh = plsc.VectorSubcoreMesh(core_axis_name="c", subcore_axis_name="s")
    return pl.kernel(
        _sc_combine_body,
        mesh=mesh,
        out_type=jax.ShapeDtypeStruct((B, D), jnp.float32),
        scratch_types=[
            pltpu.VMEM((CH * K,), jnp.int32),
            pltpu.VMEM((CH * K,), jnp.float32),
            pltpu.VMEM((CH * K, D), jnp.float32),
            pltpu.VMEM((CH, D), jnp.float32),
            pltpu.VMEM((CH, D), jnp.float32),
            pltpu.SemaphoreType.DMA,
        ],
    )(features, idx_flat, w_flat, lora_ranks)


@jax.jit
def kernel(features, W_attn, b_attn, lora_ranks):
    ix, wt = _tc_router(features, W_attn, b_attn)
    idx_flat = ix.T.reshape(B * K)
    w_flat = wt.T.reshape(B * K)
    return _sc_combine(features, idx_flat, w_flat, lora_ranks)

# --- scband reference (transcript-rebuilt; emitter-appended) ---
"""Pipeline reference for scband-lo-raattention-router-3135326126143 (READ-ONLY COPY).

The authoritative reference and input builder live on the scoring server;
editing this copy changes nothing except your own understanding.
"""

import jax, jax.numpy as jnp
import numpy as np

B = 32768
D = 4096
E = 64
K = 8

def setup_inputs(seed: int = 0) -> dict:
    key = jax.random.key(seed)
    k1, k2, k3, k4 = jax.random.split(key, 4)
    features = jax.random.normal(k1, (B, D), dtype=jnp.float32)
    # nn.Linear(in_features=D, out=E): weight [E, D], bias [E]
    bound = 1.0 / np.sqrt(D)
    W_attn = jax.random.uniform(k2, (E, D), dtype=jnp.float32, minval=-bound, maxval=bound)
    b_attn = jax.random.uniform(k3, (E,), dtype=jnp.float32, minval=-bound, maxval=bound)
    lora_ranks = jax.random.normal(k4, (E, D), dtype=jnp.float32)
    return {"features": features, "W_attn": W_attn, "b_attn": b_attn, "lora_ranks": lora_ranks}

def reference(features, W_attn, b_attn, lora_ranks):
    attn_scores = features @ W_attn.T + b_attn              # [B, E]
    topk_values, topk_indices = jax.lax.top_k(attn_scores, K)  # [B, K]
    topk_weights = jax.nn.softmax(topk_values, axis=1)      # [B, K]
    selected_loras = jnp.take(lora_ranks, topk_indices, axis=0)  # [B, K, D]
    combined_lora = jnp.einsum('bk,bki->bi', topk_weights, selected_loras)  # [B, D]
    adapted_features = features + combined_lora
    return adapted_features

if __name__ == "__main__":
    import jax
    _d = setup_inputs()
    print(jax.jit(kernel)(*tuple(_d.values())))

</pallas_src>

<mosaic_0001>
#map = affine_map<(d0, d1) -> (0, 0)>
#map1 = affine_map<(d0, d1) -> (0)>
module attributes {stable_mosaic.version = 14 : i64} {
  func.func @_sc_combine_body(%arg0: i32, %arg1: i32, %arg2: memref<32768x4096xf32, #tpu.memory_space<hbm>>, %arg3: memref<262144xi32, #tpu.memory_space<hbm>>, %arg4: memref<262144xf32, #tpu.memory_space<hbm>>, %arg5: memref<64x4096xf32, #tpu.memory_space<hbm>>, %arg6: memref<32768x4096xf32, #tpu.memory_space<hbm>>, %arg7: memref<16xi32, #tpu.memory_space<vmem>>, %arg8: memref<16xf32, #tpu.memory_space<vmem>>, %arg9: memref<16x4096xf32, #tpu.memory_space<vmem>>, %arg10: memref<2x4096xf32, #tpu.memory_space<vmem>>, %arg11: memref<2x4096xf32, #tpu.memory_space<vmem>>, %arg12: memref<!tpu.dma_semaphore, #tpu.memory_space<semaphore_mem>>) attributes {dimension_semantics = [#tpu.dimension_semantics<core_parallel>, #tpu.dimension_semantics<subcore_parallel>], iteration_bounds = array<i64: 2, 16>, scalar_prefetch = 0 : i64, scratch_operands = 6 : i64, tpu.core_type = #tpu.core_type<sc_vector_subcore>, window_params = [{transform_indices = #map}, {transform_indices = #map1}, {transform_indices = #map1}, {transform_indices = #map}, {transform_indices = #map}]} {
    %mul3A = arith.constant 2 : i32
    %mul3A_0 = arith.muli %arg1, %mul3A : i32
    %add3A = arith.addi %mul3A_0, %arg0 : i32
    %mul3A_1 = arith.constant 1024 : i32
    %mul3A_2 = arith.muli %add3A, %mul3A_1 : i32
    %scan3A = arith.constant 0 : i32
    %scan3A_3 = arith.constant 0 : i32
    %scan3A_4 = arith.constant 512 : i32
    %scan3A_5 = arith.addi %scan3A_3, %scan3A_4 : i32
    %scan3A_6 = arith.constant 1 : i32
    scf.for %scan3A_8 = %scan3A_3 to %scan3A_5 step %scan3A_6  : i32 {
      %mul3A_9 = arith.constant 2 : i32
      %mul3A_10 = arith.muli %scan3A_8, %mul3A_9 : i32
      %add3A_11 = arith.addi %mul3A_2, %mul3A_10 : i32
      %mul3A_12 = arith.constant 8 : i32
      %mul3A_13 = arith.muli %add3A_11, %mul3A_12 : i32
      "tpu.region"() ({
        %run_scoped3A = tpu.sem_alloc : memref<!tpu.dma_semaphore, #tpu.memory_space<semaphore_mem>>
        %dma_start3A_28 = tpu.memref_slice %arg3[%mul3A_13] : memref<262144xi32, #tpu.memory_space<hbm>> -> memref<16xi32, #tpu.memory_space<hbm>>
        %dma_start3A_29 = tpu.memref_slice %arg3[%mul3A_13] : memref<262144xi32, #tpu.memory_space<hbm>> -> memref<16xi32, #tpu.memory_space<hbm>>
        tpu.enqueue_dma source(%dma_start3A_29 : memref<16xi32, #tpu.memory_space<hbm>>) target(%arg7 : memref<16xi32, #tpu.memory_space<vmem>>) target_semaphore(%run_scoped3A : memref<!tpu.dma_semaphore, #tpu.memory_space<semaphore_mem>>)
        %dma_wait3A_30 = tpu.memref_slice %arg3[%mul3A_13] : memref<262144xi32, #tpu.memory_space<hbm>> -> memref<16xi32, #tpu.memory_space<hbm>>
        %dma_wait3A_31 = tpu.memref_slice %arg3[%mul3A_13] : memref<262144xi32, #tpu.memory_space<hbm>> -> memref<16xi32, #tpu.memory_space<hbm>>
        tpu.wait_dma2 semaphore(%run_scoped3A : memref<!tpu.dma_semaphore, #tpu.memory_space<semaphore_mem>>) src(%dma_wait3A_31 : memref<16xi32, #tpu.memory_space<hbm>>) dst(%arg7 : memref<16xi32, #tpu.memory_space<vmem>>)
        tpu.yield
      }) : () -> ()
      %mul3A_14 = arith.constant 8 : i32
      %mul3A_15 = arith.muli %add3A_11, %mul3A_14 : i32
      "tpu.region"() ({
        %run_scoped3A = tpu.sem_alloc : memref<!tpu.dma_semaphore, #tpu.memory_space<semaphore_mem>>
        %dma_start3A_28 = tpu.memref_slice %arg4[%mul3A_15] : memref<262144xf32, #tpu.memory_space<hbm>> -> memref<16xf32, #tpu.memory_space<hbm>>
        %dma_start3A_29 = tpu.memref_slice %arg4[%mul3A_15] : memref<262144xf32, #tpu.memory_space<hbm>> -> memref<16xf32, #tpu.memory_space<hbm>>
        tpu.enqueue_dma source(%dma_start3A_29 : memref<16xf32, #tpu.memory_space<hbm>>) target(%arg8 : memref<16xf32, #tpu.memory_space<vmem>>) target_semaphore(%run_scoped3A : memref<!tpu.dma_semaphore, #tpu.memory_space<semaphore_mem>>)
        %dma_wait3A_30 = tpu.memref_slice %arg4[%mul3A_15] : memref<262144xf32, #tpu.memory_space<hbm>> -> memref<16xf32, #tpu.memory_space<hbm>>
        %dma_wait3A_31 = tpu.memref_slice %arg4[%mul3A_15] : memref<262144xf32, #tpu.memory_space<hbm>> -> memref<16xf32, #tpu.memory_space<hbm>>
        tpu.wait_dma2 semaphore(%run_scoped3A : memref<!tpu.dma_semaphore, #tpu.memory_space<semaphore_mem>>) src(%dma_wait3A_31 : memref<16xf32, #tpu.memory_space<hbm>>) dst(%arg8 : memref<16xf32, #tpu.memory_space<vmem>>)
        tpu.yield
      }) : () -> ()
      %dma_start3A = arith.constant 0 : i32
      %dma_start3A_16 = arith.constant 0 : i32
      %dma_start3A_17 = tpu.memref_slice %arg5[%dma_start3A, %dma_start3A_16] : memref<64x4096xf32, #tpu.memory_space<hbm>> -> memref<64x4096xf32, #tpu.memory_space<hbm>>
      tpu.enqueue_indirect_dma source(%dma_start3A_17 : memref<64x4096xf32, #tpu.memory_space<hbm>>) target(%arg9 : memref<16x4096xf32, #tpu.memory_space<vmem>>) offsets(%arg7 : memref<16xi32, #tpu.memory_space<vmem>>) semaphore(%arg12 : memref<!tpu.dma_semaphore, #tpu.memory_space<semaphore_mem>>)
      %dma_wait3A = arith.constant 0 : i32
      %dma_wait3A_18 = arith.constant 0 : i32
      %dma_wait3A_19 = tpu.memref_slice %arg5[%dma_wait3A, %dma_wait3A_18] : memref<64x4096xf32, #tpu.memory_space<hbm>> -> memref<64x4096xf32, #tpu.memory_space<hbm>>
      tpu.wait_indirect_dma semaphore(%arg12 : memref<!tpu.dma_semaphore, #tpu.memory_space<semaphore_mem>>) src(%dma_wait3A_19 : memref<64x4096xf32, #tpu.memory_space<hbm>>) dst(%arg9 : memref<16x4096xf32, #tpu.memory_space<vmem>>)
      "tpu.region"() ({
        %run_scoped3A = tpu.sem_alloc : memref<!tpu.dma_semaphore, #tpu.memory_space<semaphore_mem>>
        %dma_start3A_28 = arith.constant 0 : i32
        %dma_start3A_29 = tpu.memref_slice %arg2[%add3A_11, %dma_start3A_28] : memref<32768x4096xf32, #tpu.memory_space<hbm>> -> memref<2x4096xf32, #tpu.memory_space<hbm>>
        %dma_start3A_30 = arith.constant 0 : i32
        %dma_start3A_31 = tpu.memref_slice %arg2[%add3A_11, %dma_start3A_30] : memref<32768x4096xf32, #tpu.memory_space<hbm>> -> memref<2x4096xf32, #tpu.memory_space<hbm>>
        tpu.enqueue_dma source(%dma_start3A_31 : memref<2x4096xf32, #tpu.memory_space<hbm>>) target(%arg10 : memref<2x4096xf32, #tpu.memory_space<vmem>>) target_semaphore(%run_scoped3A : memref<!tpu.dma_semaphore, #tpu.memory_space<semaphore_mem>>)
        %dma_wait3A_32 = arith.constant 0 : i32
        %dma_wait3A_33 = tpu.memref_slice %arg2[%add3A_11, %dma_wait3A_32] : memref<32768x4096xf32, #tpu.memory_space<hbm>> -> memref<2x4096xf32, #tpu.memory_space<hbm>>
        %dma_wait3A_34 = arith.constant 0 : i32
        %dma_wait3A_35 = tpu.memref_slice %arg2[%add3A_11, %dma_wait3A_34] : memref<32768x4096xf32, #tpu.memory_space<hbm>> -> memref<2x4096xf32, #tpu.memory_space<hbm>>
        tpu.wait_dma2 semaphore(%run_scoped3A : memref<!tpu.dma_semaphore, #tpu.memory_space<semaphore_mem>>) src(%dma_wait3A_35 : memref<2x4096xf32, #tpu.memory_space<hbm>>) dst(%arg10 : memref<2x4096xf32, #tpu.memory_space<vmem>>)
        tpu.yield
      }) : () -> ()
      %get3A = arith.constant 0 : index
      %get3A_20 = tpu.vector_load %arg8[%get3A] {strides = array<i32>} : memref<16xf32, #tpu.memory_space<vmem>>, vector<16xf32>,
      %get3A_21 = vector.shape_cast %get3A_20 : vector<16xf32> to vector<16xf32>
      %scan3A_22 = arith.constant 0 : i32
      %scan3A_23 = arith.constant 0 : i32
      %scan3A_24 = arith.constant 8 : i32
      %scan3A_25 = arith.addi %scan3A_23, %scan3A_24 : i32
      %scan3A_26 = arith.constant 1 : i32
      scf.for %scan3A_28 = %scan3A_23 to %scan3A_25 step %scan3A_26  : i32 {
        %mul3A_29 = arith.constant 512 : i32
        %mul3A_30 = arith.muli %scan3A_28, %mul3A_29 : i32
        %get3A_31 = arith.constant 0 : i32
        %get3A_32 = arith.index_cast %get3A_31 : i32 to index
        %get3A_33 = arith.index_cast %mul3A_30 : i32 to index
        %get3A_34 = tpu.vector_load %arg10[%get3A_32, %get3A_33] {strides = array<i32>} : memref<2x4096xf32, #tpu.memory_space<vmem>>, vector<1x512xf32>,
        %get3A_35 = vector.shape_cast %get3A_34 : vector<1x512xf32> to vector<512xf32>
        %slice3A = vector.extract_strided_slice %get3A_21 {offsets = [0], sizes = [1], strides = [1]} : vector<16xf32> to vector<1xf32>
        %squeeze3A = vector.extract %slice3A[0] : f32 from vector<1xf32>
        %get3A_36 = arith.constant 0 : i32
        %get3A_37 = arith.index_cast %get3A_36 : i32 to index
        %get3A_38 = arith.index_cast %mul3A_30 : i32 to index
        %get3A_39 = tpu.vector_load %arg9[%get3A_37, %get3A_38] {strides = array<i32>} : memref<16x4096xf32, #tpu.memory_space<vmem>>, vector<1x512xf32>,
        %get3A_40 = vector.shape_cast %get3A_39 : vector<1x512xf32> to vector<512xf32>
        %mul3A_41 = vector.broadcast %squeeze3A : f32 to vector<512xf32>
        %mul3A_42 = arith.mulf %mul3A_41, %get3A_40 : vector<512xf32>
        %add3A_43 = arith.addf %get3A_35, %mul3A_42 : vector<512xf32>
        %slice3A_44 = vector.extract_strided_slice %get3A_21 {offsets = [1], sizes = [1], strides = [1]} : vector<16xf32> to vector<1xf32>
        %squeeze3A_45 = vector.extract %slice3A_44[0] : f32 from vector<1xf32>
        %get3A_46 = arith.constant 1 : i32
        %get3A_47 = arith.index_cast %get3A_46 : i32 to index
        %get3A_48 = arith.index_cast %mul3A_30 : i32 to index
        %get3A_49 = tpu.vector_load %arg9[%get3A_47, %get3A_48] {strides = array<i32>} : memref<16x4096xf32, #tpu.memory_space<vmem>>, vector<1x512xf32>,
        %get3A_50 = vector.shape_cast %get3A_49 : vector<1x512xf32> to vector<512xf32>
        %mul3A_51 = vector.broadcast %squeeze3A_45 : f32 to vector<512xf32>
        %mul3A_52 = arith.mulf %mul3A_51, %get3A_50 : vector<512xf32>
        %add3A_53 = arith.addf %add3A_43, %mul3A_52 : vector<512xf32>
        %slice3A_54 = vector.extract_strided_slice %get3A_21 {offsets = [2], sizes = [1], strides = [1]} : vector<16xf32> to vector<1xf32>
        %squeeze3A_55 = vector.extract %slice3A_54[0] : f32 from vector<1xf32>
        %get3A_56 = arith.constant 2 : i32
        %get3A_57 = arith.index_cast %get3A_56 : i32 to index
        %get3A_58 = arith.index_cast %mul3A_30 : i32 to index
        %get3A_59 = tpu.vector_load %arg9[%get3A_57, %get3A_58] {strides = array<i32>} : memref<16x4096xf32, #tpu.memory_space<vmem>>, vector<1x512xf32>,
        %get3A_60 = vector.shape_cast %get3A_59 : vector<1x512xf32> to vector<512xf32>
        %mul3A_61 = vector.broadcast %squeeze3A_55 : f32 to vector<512xf32>
        %mul3A_62 = arith.mulf %mul3A_61, %get3A_60 : vector<512xf32>
        %add3A_63 = arith.addf %add3A_53, %mul3A_62 : vector<512xf32>
        %slice3A_64 = vector.extract_strided_slice %get3A_21 {offsets = [3], sizes = [1], strides = [1]} : vector<16xf32> to vector<1xf32>
        %squeeze3A_65 = vector.extract %slice3A_64[0] : f32 from vector<1xf32>
        %get3A_66 = arith.constant 3 : i32
        %get3A_67 = arith.index_cast %get3A_66 : i32 to index
        %get3A_68 = arith.index_cast %mul3A_30 : i32 to index
        %get3A_69 = tpu.vector_load %arg9[%get3A_67, %get3A_68] {strides = array<i32>} : memref<16x4096xf32, #tpu.memory_space<vmem>>, vector<1x512xf32>,
        %get3A_70 = vector.shape_cast %get3A_69 : vector<1x512xf32> to vector<512xf32>
        %mul3A_71 = vector.broadcast %squeeze3A_65 : f32 to vector<512xf32>
        %mul3A_72 = arith.mulf %mul3A_71, %get3A_70 : vector<512xf32>
        %add3A_73 = arith.addf %add3A_63, %mul3A_72 : vector<512xf32>
        %slice3A_74 = vector.extract_strided_slice %get3A_21 {offsets = [4], sizes = [1], strides = [1]} : vector<16xf32> to vector<1xf32>
        %squeeze3A_75 = vector.extract %slice3A_74[0] : f32 from vector<1xf32>
        %get3A_76 = arith.constant 4 : i32
        %get3A_77 = arith.index_cast %get3A_76 : i32 to index
        %get3A_78 = arith.index_cast %mul3A_30 : i32 to index
        %get3A_79 = tpu.vector_load %arg9[%get3A_77, %get3A_78] {strides = array<i32>} : memref<16x4096xf32, #tpu.memory_space<vmem>>, vector<1x512xf32>,
        %get3A_80 = vector.shape_cast %get3A_79 : vector<1x512xf32> to vector<512xf32>
        %mul3A_81 = vector.broadcast %squeeze3A_75 : f32 to vector<512xf32>
        %mul3A_82 = arith.mulf %mul3A_81, %get3A_80 : vector<512xf32>
        %add3A_83 = arith.addf %add3A_73, %mul3A_82 : vector<512xf32>
        %slice3A_84 = vector.extract_strided_slice %get3A_21 {offsets = [5], sizes = [1], strides = [1]} : vector<16xf32> to vector<1xf32>
        %squeeze3A_85 = vector.extract %slice3A_84[0] : f32 from vector<1xf32>
        %get3A_86 = arith.constant 5 : i32
        %get3A_87 = arith.index_cast %get3A_86 : i32 to index
        %get3A_88 = arith.index_cast %mul3A_30 : i32 to index
        %get3A_89 = tpu.vector_load %arg9[%get3A_87, %get3A_88] {strides = array<i32>} : memref<16x4096xf32, #tpu.memory_space<vmem>>, vector<1x512xf32>,
        %get3A_90 = vector.shape_cast %get3A_89 : vector<1x512xf32> to vector<512xf32>
        %mul3A_91 = vector.broadcast %squeeze3A_85 : f32 to vector<512xf32>
        %mul3A_92 = arith.mulf %mul3A_91, %get3A_90 : vector<512xf32>
        %add3A_93 = arith.addf %add3A_83, %mul3A_92 : vector<512xf32>
        %slice3A_94 = vector.extract_strided_slice %get3A_21 {offsets = [6], sizes = [1], strides = [1]} : vector<16xf32> to vector<1xf32>
        %squeeze3A_95 = vector.extract %slice3A_94[0] : f32 from vector<1xf32>
        %get3A_96 = arith.constant 6 : i32
        %get3A_97 = arith.index_cast %get3A_96 : i32 to index
        %get3A_98 = arith.index_cast %mul3A_30 : i32 to index
        %get3A_99 = tpu.vector_load %arg9[%get3A_97, %get3A_98] {strides = array<i32>} : memref<16x4096xf32, #tpu.memory_space<vmem>>, vector<1x512xf32>,
        %get3A_100 = vector.shape_cast %get3A_99 : vector<1x512xf32> to vector<512xf32>
        %mul3A_101 = vector.broadcast %squeeze3A_95 : f32 to vector<512xf32>
        %mul3A_102 = arith.mulf %mul3A_101, %get3A_100 : vector<512xf32>
        %add3A_103 = arith.addf %add3A_93, %mul3A_102 : vector<512xf32>
        %slice3A_104 = vector.extract_strided_slice %get3A_21 {offsets = [7], sizes = [1], strides = [1]} : vector<16xf32> to vector<1xf32>
        %squeeze3A_105 = vector.extract %slice3A_104[0] : f32 from vector<1xf32>
        %get3A_106 = arith.constant 7 : i32
        %get3A_107 = arith.index_cast %get3A_106 : i32 to index
        %get3A_108 = arith.index_cast %mul3A_30 : i32 to index
        %get3A_109 = tpu.vector_load %arg9[%get3A_107, %get3A_108] {strides = array<i32>} : memref<16x4096xf32, #tpu.memory_space<vmem>>, vector<1x512xf32>,
        %get3A_110 = vector.shape_cast %get3A_109 : vector<1x512xf32> to vector<512xf32>
        %mul3A_111 = vector.broadcast %squeeze3A_105 : f32 to vector<512xf32>
        %mul3A_112 = arith.mulf %mul3A_111, %get3A_110 : vector<512xf32>
        %add3A_113 = arith.addf %add3A_103, %mul3A_112 : vector<512xf32>
        %swap3A = arith.constant 0 : i32
        %swap3A_114 = arith.index_cast %swap3A : i32 to index
        %swap3A_115 = arith.index_cast %mul3A_30 : i32 to index
        %swap3A_116 = tpu.vector_load %arg11[%swap3A_114, %swap3A_115] {strides = array<i32>} : memref<2x4096xf32, #tpu.memory_space<vmem>>, vector<1x512xf32>,
        %swap3A_117 = vector.shape_cast %swap3A_116 : vector<1x512xf32> to vector<512xf32>
        %swap3A_118 = vector.shape_cast %add3A_113 : vector<512xf32> to vector<1x512xf32>
        tpu.vector_store %arg11[%swap3A_114, %swap3A_115], %swap3A_118 {strides = array<i32>} : memref<2x4096xf32, #tpu.memory_space<vmem>>, vector<1x512xf32>,
        %get3A_119 = arith.constant 1 : i32
        %get3A_120 = arith.index_cast %get3A_119 : i32 to index
        %get3A_121 = arith.index_cast %mul3A_30 : i32 to index
        %get3A_122 = tpu.vector_load %arg10[%get3A_120, %get3A_121] {strides = array<i32>} : memref<2x4096xf32, #tpu.memory_space<vmem>>, vector<1x512xf32>,
        %get3A_123 = vector.shape_cast %get3A_122 : vector<1x512xf32> to vector<512xf32>
        %slice3A_124 = vector.extract_strided_slice %get3A_21 {offsets = [8], sizes = [1], strides = [1]} : vector<16xf32> to vector<1xf32>
        %squeeze3A_125 = vector.extract %slice3A_124[0] : f32 from vector<1xf32>
        %get3A_126 = arith.constant 8 : i32
        %get3A_127 = arith.index_cast %get3A_126 : i32 to index
        %get3A_128 = arith.index_cast %mul3A_30 : i32 to index
        %get3A_129 = tpu.vector_load %arg9[%get3A_127, %get3A_128] {strides = array<i32>} : memref<16x4096xf32, #tpu.memory_space<vmem>>, vector<1x512xf32>,
        %get3A_130 = vector.shape_cast %get3A_129 : vector<1x512xf32> to vector<512xf32>
        %mul3A_131 = vector.broadcast %squeeze3A_125 : f32 to vector<512xf32>
        %mul3A_132 = arith.mulf %mul3A_131, %get3A_130 : vector<512xf32>
        %add3A_133 = arith.addf %get3A_123, %mul3A_132 : vector<512xf32>
        %slice3A_134 = vector.extract_strided_slice %get3A_21 {offsets = [9], sizes = [1], strides = [1]} : vector<16xf32> to vector<1xf32>
        %squeeze3A_135 = vector.extract %slice3A_134[0] : f32 from vector<1xf32>
        %get3A_136 = arith.constant 9 : i32
        %get3A_137 = arith.index_cast %get3A_136 : i32 to index
        %get3A_138 = arith.index_cast %mul3A_30 : i32 to index
        %get3A_139 = tpu.vector_load %arg9[%get3A_137, %get3A_138] {strides = array<i32>} : memref<16x4096xf32, #tpu.memory_space<vmem>>, vector<1x512xf32>,
        %get3A_140 = vector.shape_cast %get3A_139 : vector<1x512xf32> to vector<512xf32>
        %mul3A_141 = vector.broadcast %squeeze3A_135 : f32 to vector<512xf32>
        %mul3A_142 = arith.mulf %mul3A_141, %get3A_140 : vector<512xf32>
        %add3A_143 = arith.addf %add3A_133, %mul3A_142 : vector<512xf32>
        %slice3A_144 = vector.extract_strided_slice %get3A_21 {offsets = [10], sizes = [1], strides = [1]} : vector<16xf32> to vector<1xf32>
        %squeeze3A_145 = vector.extract %slice3A_144[0] : f32 from vector<1xf32>
        %get3A_146 = arith.constant 10 : i32
        %get3A_147 = arith.index_cast %get3A_146 : i32 to index
        %get3A_148 = arith.index_cast %mul3A_30 : i32 to index
        %get3A_149 = tpu.vector_load %arg9[%get3A_147, %get3A_148] {strides = array<i32>} : memref<16x4096xf32, #tpu.memory_space<vmem>>, vector<1x512xf32>,
        %get3A_150 = vector.shape_cast %get3A_149 : vector<1x512xf32> to vector<512xf32>
        %mul3A_151 = vector.broadcast %squeeze3A_145 : f32 to vector<512xf32>
        %mul3A_152 = arith.mulf %mul3A_151, %get3A_150 : vector<512xf32>
        %add3A_153 = arith.addf %add3A_143, %mul3A_152 : vector<512xf32>
        %slice3A_154 = vector.extract_strided_slice %get3A_21 {offsets = [11], sizes = [1], strides = [1]} : vector<16xf32> to vector<1xf32>
        %squeeze3A_155 = vector.extract %slice3A_154[0] : f32 from vector<1xf32>
        %get3A_156 = arith.constant 11 : i32
        %get3A_157 = arith.index_cast %get3A_156 : i32 to index
        %get3A_158 = arith.index_cast %mul3A_30 : i32 to index
        %get3A_159 = tpu.vector_load %arg9[%get3A_157, %get3A_158] {strides = array<i32>} : memref<16x4096xf32, #tpu.memory_space<vmem>>, vector<1x512xf32>,
        %get3A_160 = vector.shape_cast %get3A_159 : vector<1x512xf32> to vector<512xf32>
        %mul3A_161 = vector.broadcast %squeeze3A_155 : f32 to vector<512xf32>
        %mul3A_162 = arith.mulf %mul3A_161, %get3A_160 : vector<512xf32>
        %add3A_163 = arith.addf %add3A_153, %mul3A_162 : vector<512xf32>
        %slice3A_164 = vector.extract_strided_slice %get3A_21 {offsets = [12], sizes = [1], strides = [1]} : vector<16xf32> to vector<1xf32>
        %squeeze3A_165 = vector.extract %slice3A_164[0] : f32 from vector<1xf32>
        %get3A_166 = arith.constant 12 : i32
        %get3A_167 = arith.index_cast %get3A_166 : i32 to index
        %get3A_168 = arith.index_cast %mul3A_30 : i32 to index
        %get3A_169 = tpu.vector_load %arg9[%get3A_167, %get3A_168] {strides = array<i32>} : memref<16x4096xf32, #tpu.memory_space<vmem>>, vector<1x512xf32>,
        %get3A_170 = vector.shape_cast %get3A_169 : vector<1x512xf32> to vector<512xf32>
        %mul3A_171 = vector.broadcast %squeeze3A_165 : f32 to vector<512xf32>
        %mul3A_172 = arith.mulf %mul3A_171, %get3A_170 : vector<512xf32>
        %add3A_173 = arith.addf %add3A_163, %mul3A_172 : vector<512xf32>
        %slice3A_174 = vector.extract_strided_slice %get3A_21 {offsets = [13], sizes = [1], strides = [1]} : vector<16xf32> to vector<1xf32>
        %squeeze3A_175 = vector.extract %slice3A_174[0] : f32 from vector<1xf32>
        %get3A_176 = arith.constant 13 : i32
        %get3A_177 = arith.index_cast %get3A_176 : i32 to index
        %get3A_178 = arith.index_cast %mul3A_30 : i32 to index
        %get3A_179 = tpu.vector_load %arg9[%get3A_177, %get3A_178] {strides = array<i32>} : memref<16x4096xf32, #tpu.memory_space<vmem>>, vector<1x512xf32>,
        %get3A_180 = vector.shape_cast %get3A_179 : vector<1x512xf32> to vector<512xf32>
        %mul3A_181 = vector.broadcast %squeeze3A_175 : f32 to vector<512xf32>
        %mul3A_182 = arith.mulf %mul3A_181, %get3A_180 : vector<512xf32>
        %add3A_183 = arith.addf %add3A_173, %mul3A_182 : vector<512xf32>
        %slice3A_184 = vector.extract_strided_slice %get3A_21 {offsets = [14], sizes = [1], strides = [1]} : vector<16xf32> to vector<1xf32>
        %squeeze3A_185 = vector.extract %slice3A_184[0] : f32 from vector<1xf32>
        %get3A_186 = arith.constant 14 : i32
        %get3A_187 = arith.index_cast %get3A_186 : i32 to index
        %get3A_188 = arith.index_cast %mul3A_30 : i32 to index
        %get3A_189 = tpu.vector_load %arg9[%get3A_187, %get3A_188] {strides = array<i32>} : memref<16x4096xf32, #tpu.memory_space<vmem>>, vector<1x512xf32>,
        %get3A_190 = vector.shape_cast %get3A_189 : vector<1x512xf32> to vector<512xf32>
        %mul3A_191 = vector.broadcast %squeeze3A_185 : f32 to vector<512xf32>
        %mul3A_192 = arith.mulf %mul3A_191, %get3A_190 : vector<512xf32>
        %add3A_193 = arith.addf %add3A_183, %mul3A_192 : vector<512xf32>
        %slice3A_194 = vector.extract_strided_slice %get3A_21 {offsets = [15], sizes = [1], strides = [1]} : vector<16xf32> to vector<1xf32>
        %squeeze3A_195 = vector.extract %slice3A_194[0] : f32 from vector<1xf32>
        %get3A_196 = arith.constant 15 : i32
        %get3A_197 = arith.index_cast %get3A_196 : i32 to index
        %get3A_198 = arith.index_cast %mul3A_30 : i32 to index
        %get3A_199 = tpu.vector_load %arg9[%get3A_197, %get3A_198] {strides = array<i32>} : memref<16x4096xf32, #tpu.memory_space<vmem>>, vector<1x512xf32>,
        %get3A_200 = vector.shape_cast %get3A_199 : vector<1x512xf32> to vector<512xf32>
        %mul3A_201 = vector.broadcast %squeeze3A_195 : f32 to vector<512xf32>
        %mul3A_202 = arith.mulf %mul3A_201, %get3A_200 : vector<512xf32>
        %add3A_203 = arith.addf %add3A_193, %mul3A_202 : vector<512xf32>
        %swap3A_204 = arith.constant 1 : i32
        %swap3A_205 = arith.index_cast %swap3A_204 : i32 to index
        %swap3A_206 = arith.index_cast %mul3A_30 : i32 to index
        %swap3A_207 = tpu.vector_load %arg11[%swap3A_205, %swap3A_206] {strides = array<i32>} : memref<2x4096xf32, #tpu.memory_space<vmem>>, vector<1x512xf32>,
        %swap3A_208 = vector.shape_cast %swap3A_207 : vector<1x512xf32> to vector<512xf32>
        %swap3A_209 = vector.shape_cast %add3A_203 : vector<512xf32> to vector<1x512xf32>
        tpu.vector_store %arg11[%swap3A_205, %swap3A_206], %swap3A_209 {strides = array<i32>} : memref<2x4096xf32, #tpu.memory_space<vmem>>, vector<1x512xf32>,
      }
      %scan3A_27 = arith.constant 8 : i32
      "tpu.region"() ({
        %run_scoped3A = tpu.sem_alloc : memref<!tpu.dma_semaphore, #tpu.memory_space<semaphore_mem>>
        %dma_start3A_28 = arith.constant 0 : i32
        %dma_start3A_29 = tpu.memref_slice %arg6[%add3A_11, %dma_start3A_28] : memref<32768x4096xf32, #tpu.memory_space<hbm>> -> memref<2x4096xf32, #tpu.memory_space<hbm>>
        %dma_start3A_30 = arith.constant 0 : i32
        %dma_start3A_31 = tpu.memref_slice %arg6[%add3A_11, %dma_start3A_30] : memref<32768x4096xf32, #tpu.memory_space<hbm>> -> memref<2x4096xf32, #tpu.memory_space<hbm>>
        tpu.enqueue_dma source(%arg11 : memref<2x4096xf32, #tpu.memory_space<vmem>>) target(%dma_start3A_31 : memref<2x4096xf32, #tpu.memory_space<hbm>>) target_semaphore(%run_scoped3A : memref<!tpu.dma_semaphore, #tpu.memory_space<semaphore_mem>>)
        %dma_wait3A_32 = arith.constant 0 : i32
        %dma_wait3A_33 = tpu.memref_slice %arg6[%add3A_11, %dma_wait3A_32] : memref<32768x4096xf32, #tpu.memory_space<hbm>> -> memref<2x4096xf32, #tpu.memory_space<hbm>>
        %dma_wait3A_34 = arith.constant 0 : i32
        %dma_wait3A_35 = tpu.memref_slice %arg6[%add3A_11, %dma_wait3A_34] : memref<32768x4096xf32, #tpu.memory_space<hbm>> -> memref<2x4096xf32, #tpu.memory_space<hbm>>
        tpu.wait_dma2 semaphore(%run_scoped3A : memref<!tpu.dma_semaphore, #tpu.memory_space<semaphore_mem>>) src(%arg11 : memref<2x4096xf32, #tpu.memory_space<vmem>>) dst(%dma_wait3A_35 : memref<2x4096xf32, #tpu.memory_space<hbm>>)
        tpu.yield
      }) : () -> ()
    }
    %scan3A_7 = arith.constant 512 : i32
    return
  }
}

module attributes {stable_mosaic.version = 14 : i64} {
  func.func @_router_body(%arg0: i32, %arg1: memref<512x4096xf32, #tpu.memory_space<vmem>>, %arg2: memref<64x4096xf32, #tpu.memory_space<vmem>>, %arg3: memref<64x1xf32, #tpu.memory_space<vmem>>, %arg4: memref<8x512xi32, #tpu.memory_space<vmem>>, %arg5: memref<8x512xf32, #tpu.memory_space<vmem>>) attributes {dimension_semantics = [#tpu.dimension_semantics<arbitrary>], iteration_bounds = array<i64: 64>, scalar_prefetch = 0 : i64, scratch_operands = 0 : i64, tpu.core_type = #tpu.core_type<tc>, window_params = [{transform_indices = @transform_0, window_bounds = array<i64: 512, 4096>}, {pipeline_mode = #tpu.pipeline_mode<synchronous>, transform_indices = @transform_1, window_bounds = array<i64: 64, 4096>}, {pipeline_mode = #tpu.pipeline_mode<synchronous>, transform_indices = @transform_2, window_bounds = array<i64: 64, 1>}, {transform_indices = @transform_3, window_bounds = array<i64: 8, 512>}, {transform_indices = @transform_4, window_bounds = array<i64: 8, 512>}]} {
    %get3A = arith.constant 0 : index
    %get3A_0 = arith.constant 0 : index
    %get3A_1 = vector.load %arg1[%get3A, %get3A_0] : memref<512x4096xf32, #tpu.memory_space<vmem>>, vector<512x4096xf32>
    %get3A_2 = arith.constant 0 : index
    %get3A_3 = arith.constant 0 : index
    %get3A_4 = vector.load %arg2[%get3A_2, %get3A_3] : memref<64x4096xf32, #tpu.memory_space<vmem>>, vector<64x4096xf32>
    %dot_general3A = arith.constant dense<0.000000e+00> : vector<64x512xf32>
    %dot_general3A_5 = tpu.matmul %get3A_4, %get3A_1, %dot_general3A {dimension_numbers = #tpu.dot_dimension_numbers<[1], [1], [0], [0], [0, 0, 1, 0], [], []>, transpose_lhs_hint = false} : vector<64x4096xf32>, vector<512x4096xf32>, vector<64x512xf32> -> vector<64x512xf32>
    %get3A_6 = arith.constant 0 : index
    %get3A_7 = arith.constant 0 : index
    %get3A_8 = vector.load %arg3[%get3A_6, %get3A_7] : memref<64x1xf32, #tpu.memory_space<vmem>>, vector<64x1xf32>
    %add3A = vector.broadcast %get3A_8 : vector<64x1xf32> to vector<64x512xf32>
    %add3A_9 = arith.addf %dot_general3A_5, %add3A : vector<64x512xf32>
    %iota3A = tpu.iota {dimensions = array<i32: 0>} : vector<64x512xi32>
    %reduce_max3A = arith.constant dense<0xFF800000> : vector<512xf32>
    %reduce_max3A_10 = vector.multi_reduction <maximumf>, %add3A_9, %reduce_max3A [0] : vector<64x512xf32> to vector<512xf32>
    %broadcast_in_dim3A = vector.shape_cast %reduce_max3A_10 : vector<512xf32> to vector<1x512xf32>
    %ge3A = vector.broadcast %broadcast_in_dim3A : vector<1x512xf32> to vector<64x512xf32>
    %ge3A_11 = arith.cmpf oge, %add3A_9, %ge3A : vector<64x512xf32>
    %jit3A = arith.constant 64 : i32
    %broadcast_in_dim3A_12 = vector.broadcast %jit3A : i32 to vector<64x512xi32>
    %select_n3A = arith.select %ge3A_11, %iota3A, %broadcast_in_dim3A_12 : vector<64x512xi1>, vector<64x512xi32>
    %reduce_min3A = arith.constant dense<2147483647> : vector<512xi32>
    %reduce_min3A_13 = vector.multi_reduction <minsi>, %select_n3A, %reduce_min3A [0] : vector<64x512xi32> to vector<512xi32>
    %broadcast_in_dim3A_14 = vector.shape_cast %reduce_min3A_13 : vector<512xi32> to vector<1x512xi32>
    %jit3A_15 = arith.constant 0xFF800000 : f32
    %broadcast_in_dim3A_16 = vector.broadcast %jit3A_15 : f32 to vector<64x512xf32>
    %select_n3A_17 = arith.select %ge3A_11, %broadcast_in_dim3A_16, %add3A_9 : vector<64x512xi1>, vector<64x512xf32>
    %reduce_max3A_18 = arith.constant dense<0xFF800000> : vector<512xf32>
    %reduce_max3A_19 = vector.multi_reduction <maximumf>, %select_n3A_17, %reduce_max3A_18 [0] : vector<64x512xf32> to vector<512xf32>
    %broadcast_in_dim3A_20 = vector.shape_cast %reduce_max3A_19 : vector<512xf32> to vector<1x512xf32>
    %ge3A_21 = vector.broadcast %broadcast_in_dim3A_20 : vector<1x512xf32> to vector<64x512xf32>
    %ge3A_22 = arith.cmpf oge, %select_n3A_17, %ge3A_21 : vector<64x512xf32>
    %jit3A_23 = arith.constant 64 : i32
    %broadcast_in_dim3A_24 = vector.broadcast %jit3A_23 : i32 to vector<64x512xi32>
    %select_n3A_25 = arith.select %ge3A_22, %iota3A, %broadcast_in_dim3A_24 : vector<64x512xi1>, vector<64x512xi32>
    %reduce_min3A_26 = arith.constant dense<2147483647> : vector<512xi32>
    %reduce_min3A_27 = vector.multi_reduction <minsi>, %select_n3A_25, %reduce_min3A_26 [0] : vector<64x512xi32> to vector<512xi32>
    %broadcast_in_dim3A_28 = vector.shape_cast %reduce_min3A_27 : vector<512xi32> to vector<1x512xi32>
    %jit3A_29 = arith.constant 0xFF800000 : f32
    %broadcast_in_dim3A_30 = vector.broadcast %jit3A_29 : f32 to vector<64x512xf32>
    %select_n3A_31 = arith.select %ge3A_22, %broadcast_in_dim3A_30, %select_n3A_17 : vector<64x512xi1>, vector<64x512xf32>
    %reduce_max3A_32 = arith.constant dense<0xFF800000> : vector<512xf32>
    %reduce_max3A_33 = vector.multi_reduction <maximumf>, %select_n3A_31, %reduce_max3A_32 [0] : vector<64x512xf32> to vector<512xf32>
    %broadcast_in_dim3A_34 = vector.shape_cast %reduce_max3A_33 : vector<512xf32> to vector<1x512xf32>
    %ge3A_35 = vector.broadcast %broadcast_in_dim3A_34 : vector<1x512xf32> to vector<64x512xf32>
    %ge3A_36 = arith.cmpf oge, %select_n3A_31, %ge3A_35 : vector<64x512xf32>
    %jit3A_37 = arith.constant 64 : i32
    %broadcast_in_dim3A_38 = vector.broadcast %jit3A_37 : i32 to vector<64x512xi32>
    %select_n3A_39 = arith.select %ge3A_36, %iota3A, %broadcast_in_dim3A_38 : vector<64x512xi1>, vector<64x512xi32>
    %reduce_min3A_40 = arith.constant dense<2147483647> : vector<512xi32>
    %reduce_min3A_41 = vector.multi_reduction <minsi>, %select_n3A_39, %reduce_min3A_40 [0] : vector<64x512xi32> to vector<512xi32>
    %broadcast_in_dim3A_42 = vector.shape_cast %reduce_min3A_41 : vector<512xi32> to vector<1x512xi32>
    %jit3A_43 = arith.constant 0xFF800000 : f32
    %broadcast_in_dim3A_44 = vector.broadcast %jit3A_43 : f32 to vector<64x512xf32>
    %select_n3A_45 = arith.select %ge3A_36, %broadcast_in_dim3A_44, %select_n3A_31 : vector<64x512xi1>, vector<64x512xf32>
    %reduce_max3A_46 = arith.constant dense<0xFF800000> : vector<512xf32>
    %reduce_max3A_47 = vector.multi_reduction <maximumf>, %select_n3A_45, %reduce_max3A_46 [0] : vector<64x512xf32> to vector<512xf32>
    %broadcast_in_dim3A_48 = vector.shape_cast %reduce_max3A_47 : vector<512xf32> to vector<1x512xf32>
    %ge3A_49 = vector.broadcast %broadcast_in_dim3A_48 : vector<1x512xf32> to vector<64x512xf32>
    %ge3A_50 = arith.cmpf oge, %select_n3A_45, %ge3A_49 : vector<64x512xf32>
    %jit3A_51 = arith.constant 64 : i32
    %broadcast_in_dim3A_52 = vector.broadcast %jit3A_51 : i32 to vector<64x512xi32>
    %select_n3A_53 = arith.select %ge3A_50, %iota3A, %broadcast_in_dim3A_52 : vector<64x512xi1>, vector<64x512xi32>
    %reduce_min3A_54 = arith.constant dense<2147483647> : vector<512xi32>
    %reduce_min3A_55 = vector.multi_reduction <minsi>, %select_n3A_53, %reduce_min3A_54 [0] : vector<64x512xi32> to vector<512xi32>
    %broadcast_in_dim3A_56 = vector.shape_cast %reduce_min3A_55 : vector<512xi32> to vector<1x512xi32>
    %jit3A_57 = arith.constant 0xFF800000 : f32
    %broadcast_in_dim3A_58 = vector.broadcast %jit3A_57 : f32 to vector<64x512xf32>
    %select_n3A_59 = arith.select %ge3A_50, %broadcast_in_dim3A_58, %select_n3A_45 : vector<64x512xi1>, vector<64x512xf32>
    %reduce_max3A_60 = arith.constant dense<0xFF800000> : vector<512xf32>
    %reduce_max3A_61 = vector.multi_reduction <maximumf>, %select_n3A_59, %reduce_max3A_60 [0] : vector<64x512xf32> to vector<512xf32>
    %broadcast_in_dim3A_62 = vector.shape_cast %reduce_max3A_61 : vector<512xf32> to vector<1x512xf32>
    %ge3A_63 = vector.broadcast %broadcast_in_dim3A_62 : vector<1x512xf32> to vector<64x512xf32>
    %ge3A_64 = arith.cmpf oge, %select_n3A_59, %ge3A_63 : vector<64x512xf32>
    %jit3A_65 = arith.constant 64 : i32
    %broadcast_in_dim3A_66 = vector.broadcast %jit3A_65 : i32 to vector<64x512xi32>
    %select_n3A_67 = arith.select %ge3A_64, %iota3A, %broadcast_in_dim3A_66 : vector<64x512xi1>, vector<64x512xi32>
    %reduce_min3A_68 = arith.constant dense<2147483647> : vector<512xi32>
    %reduce_min3A_69 = vector.multi_reduction <minsi>, %select_n3A_67, %reduce_min3A_68 [0] : vector<64x512xi32> to vector<512xi32>
    %broadcast_in_dim3A_70 = vector.shape_cast %reduce_min3A_69 : vector<512xi32> to vector<1x512xi32>
    %jit3A_71 = arith.constant 0xFF800000 : f32
    %broadcast_in_dim3A_72 = vector.broadcast %jit3A_71 : f32 to vector<64x512xf32>
    %select_n3A_73 = arith.select %ge3A_64, %broadcast_in_dim3A_72, %select_n3A_59 : vector<64x512xi1>, vector<64x512xf32>
    %reduce_max3A_74 = arith.constant dense<0xFF800000> : vector<512xf32>
    %reduce_max3A_75 = vector.multi_reduction <maximumf>, %select_n3A_73, %reduce_max3A_74 [0] : vector<64x512xf32> to vector<512xf32>
    %broadcast_in_dim3A_76 = vector.shape_cast %reduce_max3A_75 : vector<512xf32> to vector<1x512xf32>
    %ge3A_77 = vector.broadcast %broadcast_in_dim3A_76 : vector<1x512xf32> to vector<64x512xf32>
    %ge3A_78 = arith.cmpf oge, %select_n3A_73, %ge3A_77 : vector<64x512xf32>
    %jit3A_79 = arith.constant 64 : i32
    %broadcast_in_dim3A_80 = vector.broadcast %jit3A_79 : i32 to vector<64x512xi32>
    %select_n3A_81 = arith.select %ge3A_78, %iota3A, %broadcast_in_dim3A_80 : vector<64x512xi1>, vector<64x512xi32>
    %reduce_min3A_82 = arith.constant dense<2147483647> : vector<512xi32>
    %reduce_min3A_83 = vector.multi_reduction <minsi>, %select_n3A_81, %reduce_min3A_82 [0] : vector<64x512xi32> to vector<512xi32>
    %broadcast_in_dim3A_84 = vector.shape_cast %reduce_min3A_83 : vector<512xi32> to vector<1x512xi32>
    %jit3A_85 = arith.constant 0xFF800000 : f32
    %broadcast_in_dim3A_86 = vector.broadcast %jit3A_85 : f32 to vector<64x512xf32>
    %select_n3A_87 = arith.select %ge3A_78, %broadcast_in_dim3A_86, %select_n3A_73 : vector<64x512xi1>, vector<64x512xf32>
    %reduce_max3A_88 = arith.constant dense<0xFF800000> : vector<512xf32>
    %reduce_max3A_89 = vector.multi_reduction <maximumf>, %select_n3A_87, %reduce_max3A_88 [0] : vector<64x512xf32> to vector<512xf32>
    %broadcast_in_dim3A_90 = vector.shape_cast %reduce_max3A_89 : vector<512xf32> to vector<1x512xf32>
    %ge3A_91 = vector.broadcast %broadcast_in_dim3A_90 : vector<1x512xf32> to vector<64x512xf32>
    %ge3A_92 = arith.cmpf oge, %select_n3A_87, %ge3A_91 : vector<64x512xf32>
    %jit3A_93 = arith.constant 64 : i32
    %broadcast_in_dim3A_94 = vector.broadcast %jit3A_93 : i32 to vector<64x512xi32>
    %select_n3A_95 = arith.select %ge3A_92, %iota3A, %broadcast_in_dim3A_94 : vector<64x512xi1>, vector<64x512xi32>
    %reduce_min3A_96 = arith.constant dense<2147483647> : vector<512xi32>
    %reduce_min3A_97 = vector.multi_reduction <minsi>, %select_n3A_95, %reduce_min3A_96 [0] : vector<64x512xi32> to vector<512xi32>
    %broadcast_in_dim3A_98 = vector.shape_cast %reduce_min3A_97 : vector<512xi32> to vector<1x512xi32>
    %jit3A_99 = arith.constant 0xFF800000 : f32
    %broadcast_in_dim3A_100 = vector.broadcast %jit3A_99 : f32 to vector<64x512xf32>
    %select_n3A_101 = arith.select %ge3A_92, %broadcast_in_dim3A_100, %select_n3A_87 : vector<64x512xi1>, vector<64x512xf32>
    %reduce_max3A_102 = arith.constant dense<0xFF800000> : vector<512xf32>
    %reduce_max3A_103 = vector.multi_reduction <maximumf>, %select_n3A_101, %reduce_max3A_102 [0] : vector<64x512xf32> to vector<512xf32>
    %broadcast_in_dim3A_104 = vector.shape_cast %reduce_max3A_103 : vector<512xf32> to vector<1x512xf32>
    %ge3A_105 = vector.broadcast %broadcast_in_dim3A_104 : vector<1x512xf32> to vector<64x512xf32>
    %ge3A_106 = arith.cmpf oge, %select_n3A_101, %ge3A_105 : vector<64x512xf32>
    %jit3A_107 = arith.constant 64 : i32
    %broadcast_in_dim3A_108 = vector.broadcast %jit3A_107 : i32 to vector<64x512xi32>
    %select_n3A_109 = arith.select %ge3A_106, %iota3A, %broadcast_in_dim3A_108 : vector<64x512xi1>, vector<64x512xi32>
    %reduce_min3A_110 = arith.constant dense<2147483647> : vector<512xi32>
    %reduce_min3A_111 = vector.multi_reduction <minsi>, %select_n3A_109, %reduce_min3A_110 [0] : vector<64x512xi32> to vector<512xi32>
    %broadcast_in_dim3A_112 = vector.shape_cast %reduce_min3A_111 : vector<512xi32> to vector<1x512xi32>
    %concatenate3A = tpu.concatenate %broadcast_in_dim3A, %broadcast_in_dim3A_20, %broadcast_in_dim3A_34, %broadcast_in_dim3A_48, %broadcast_in_dim3A_62, %broadcast_in_dim3A_76, %broadcast_in_dim3A_90, %broadcast_in_dim3A_104 in 0 : vector<1x512xf32>, vector<1x512xf32>, vector<1x512xf32>, vector<1x512xf32>, vector<1x512xf32>, vector<1x512xf32>, vector<1x512xf32>, vector<1x512xf32> -> vector<8x512xf32>
    %concatenate3A_113 = tpu.concatenate %broadcast_in_dim3A_14, %broadcast_in_dim3A_28, %broadcast_in_dim3A_42, %broadcast_in_dim3A_56, %broadcast_in_dim3A_70, %broadcast_in_dim3A_84, %broadcast_in_dim3A_98, %broadcast_in_dim3A_112 in 0 : vector<1x512xi32>, vector<1x512xi32>, vector<1x512xi32>, vector<1x512xi32>, vector<1x512xi32>, vector<1x512xi32>, vector<1x512xi32>, vector<1x512xi32> -> vector<8x512xi32>
    %slice3A = vector.extract_strided_slice %concatenate3A {offsets = [0, 0], sizes = [1, 512], strides = [1, 1]} : vector<8x512xf32> to vector<1x512xf32>
    %sub3A = vector.broadcast %slice3A : vector<1x512xf32> to vector<8x512xf32>
    %sub3A_114 = arith.subf %concatenate3A, %sub3A : vector<8x512xf32>
    %exp3A = math.exp %sub3A_114 : vector<8x512xf32>
    %reduce_sum3A = arith.constant dense<0.000000e+00> : vector<512xf32>
    %reduce_sum3A_115 = vector.multi_reduction <add>, %exp3A, %reduce_sum3A [0] : vector<8x512xf32> to vector<512xf32>
    %broadcast_in_dim3A_116 = vector.shape_cast %reduce_sum3A_115 : vector<512xf32> to vector<1x512xf32>
    %div3A = vector.broadcast %broadcast_in_dim3A_116 : vector<1x512xf32> to vector<8x512xf32>
    %div3A_117 = arith.divf %exp3A, %div3A : vector<8x512xf32>
    %swap3A = arith.constant 0 : index
    %swap3A_118 = arith.constant 0 : index
    %swap3A_119 = vector.load %arg5[%swap3A, %swap3A_118] : memref<8x512xf32, #tpu.memory_space<vmem>>, vector<8x512xf32>
    tpu.vector_store %arg5[%swap3A, %swap3A_118], %div3A_117 {strides = array<i32>} : memref<8x512xf32, #tpu.memory_space<vmem>>, vector<8x512xf32>,
    %swap3A_120 = arith.constant 0 : index
    %swap3A_121 = arith.constant 0 : index
    %swap3A_122 = vector.load %arg4[%swap3A_120, %swap3A_121] : memref<8x512xi32, #tpu.memory_space<vmem>>, vector<8x512xi32>
    tpu.vector_store %arg4[%swap3A_120, %swap3A_121], %concatenate3A_113 {strides = array<i32>} : memref<8x512xi32, #tpu.memory_space<vmem>>, vector<8x512xi32>,
    return
  }
  func.func @transform_0(%arg0: i32) -> (i32, i32) {
    %c0_i32 = arith.constant 0 : i32
    %c0_i32_0 = arith.constant 0 : i32
    return %arg0, %c0_i32 : i32, i32
  }
  func.func @transform_1(%arg0: i32) -> (i32, i32) {
    %c0_i32 = arith.constant 0 : i32
    %c0_i32_0 = arith.constant 0 : i32
    %c0_i32_1 = arith.constant 0 : i32
    return %c0_i32, %c0_i32_0 : i32, i32
  }
  func.func @transform_2(%arg0: i32) -> (i32, i32) {
    %c0_i32 = arith.constant 0 : i32
    %c0_i32_0 = arith.constant 0 : i32
    %c0_i32_1 = arith.constant 0 : i32
    return %c0_i32, %c0_i32_0 : i32, i32
  }
  func.func @transform_3(%arg0: i32) -> (i32, i32) {
    %c0_i32 = arith.constant 0 : i32
    %c0_i32_0 = arith.constant 0 : i32
    return %c0_i32, %arg0 : i32, i32
  }
  func.func @transform_4(%arg0: i32) -> (i32, i32) {
    %c0_i32 = arith.constant 0 : i32
    %c0_i32_0 = arith.constant 0 : i32
    return %c0_i32, %arg0 : i32, i32
  }
}

</mosaic_0001>

<sc_bundles>
// kernel: kernel.4.cloned.1.call-start
scs
__scs_entry_jumppad:
0x0: {  	(pc) =	sbr.rel $0x88, $3  }
0x1: {  	(tag) =	ssettag $0x0;
	lr =	simm.s32 $0x1  }
0x2: {  	[smem:$0x3F9D] =	sst lr;
	_ =	strace $0xD0000000  }
0x3: {  	_ = 	snop  }
0x4: {  	_ = 	snop  }
0x5: {  	_ = 	snop  }
0x6: {  	_ = 	snop  }
0x7: {  	_ = 	snop  }
__scs_overlays_trampoline_lowered:
0x8: {  	[smem:$0x3FAC] =	sst s0  }
0x9: {  	[smem:$0x3FAD] =	sst s1  }
0xa: {  	[smem:$0x3FAE] =	sst s2  }
0xb: {  	[smem:$0x3FAF] =	sst s3  }
0xc: {  	[smem:$0x3FB0] =	sst s4  }
0xd: {  	[smem:$0x3FB1] =	sst s5  }
0xe: {  	[smem:$0x3FB2] =	sst s6  }
0xf: {  	[smem:$0x3FB3] =	sst s7  }
0x10: {  	[smem:$0x3FB4] =	sst s8  }
0x11: {  	[smem:$0x3FB5] =	sst s9;
	s0 =	simm.s32 @!p0 $0x0  }
0x12: {  	s1 =	sld [smem:$0x3F9B];
	s0 =	simm.s32 @p0 $0x1  }
0x13: {  	[smem:$0x3FB6] =	sst s0;
	s0 =	simm.s32 @!p1 $0x0  }
0x14: {  	s2 =	sld [smem:$0x3F9A];
	s0 =	simm.s32 @p1 $0x1  }
0x15: {  	[smem:$0x3FB7] =	sst s0;
	s0 =	simm.s32 @!p2 $0x0  }
0x16: {  	s3 =	sld [smem:$0x3FDB];
	s0 =	simm.s32 @p2 $0x1  }
0x17: {  	s4 =	simm.s32 $0x1BF5;
	[smem:$0x3FB9] =	sst s0  }
0x18: {  	s0 =	sld [smem:$0x3F9C];
	_ =	swait.ge [sflag:s4], $0x0  }
0x19: {  	s7 =	sld [smem:$0x3F9D]  }
0x1a: {  	s8 =	sadd.s32 $0xFFFFE003, lr  }
0x1b: {  	s9 =	sadd.s32 $0xFFFFFEF7, lr;
	s5 =	simm.s32 $0xFFFFFFFF;
	p2 =	slt.u32 s8, $0xFFFFF086  }
0x1c: {  	p1 =	slt.u32 s9, $0xF7A;
	s5 =	simm.s32 @!p2 $0x0  }
0x1d: {  	s5 =	simm.s32 @p1 $0x1;
	p0 =	seq.s32 s7, s2  }
0x1e: {  	s7 =	smul.u32 @!p0 $0xF7A, s2;
	p2 =	seq.s32 @!p0 s5, $0x0  }
0x1f: {  	s9 =	smul.u32 $0xF7A, s1;
	s8 =	simm.s32 @!p0 $0x1BF5;
	p2 =	por !p2, p0  }
0x20: {  	[sflag:s8] =	ssyncset.s32 @!p0 $0xFFFFF086;
	s6 =	sadd.s32 @!p0 s3, s7;
	s7 =	simm.s32 @!p0 $0x108  }
0x21: {  	s3 =	sadd.s32 s3, s9;
	s6 =	sadd.s32 @!p0 $0x88, s6;
	s7 =	simm.s32 @p2 $0x1082  }
0x22: {  	[simem:s7], [sflag:s8] =	dma.local @!p0 [hbm:s6], $0xF7A  }
0x23: {  	s9 =	sor.u32 $0xD0000000, s2;
	s6 =	simm.s32 $0x108;
	_ =	swait.ge @!p0 [sflag:s8], $0x0  }
0x24: {  	s3 =	sadd.s32 $0x88, s3;
	s6 =	simm.s32 @!p1 $0x1082;
	[sflag:s4] =	ssyncset.s32 $0xFFFFF086  }
0x25: {  	[simem:s6], [sflag:s4] =	dma.local [hbm:s3], $0xF7A  }
0x26: {  	[smem:$0x3F9D] =	sst s1;
	(tag) =	ssettag s2;
	_ =	strace s9  }
0x27: {  	s1 =	sld [smem:$0x3FAD]  }
0x28: {  	s2 =	sld [smem:$0x3FAE]  }
0x29: {  	s4 =	sld [smem:$0x3FB0]  }
0x2a: {  	p0 =	seq.s32 s5, $0x0;
	s5 =	sld [smem:$0x3FB1]  }
0x2b: {  	s6 =	sld [smem:$0x3FB2]  }
0x2c: {  	s7 =	sld [smem:$0x3FB3]  }
0x2d: {  	s3 =	simm.s32 $0x108;
	s8 =	sld [smem:$0x3FB4]  }
0x2e: {  	s3 =	simm.s32 @!p0 $0x1082;
	s9 =	sld [smem:$0x3FB5]  }
0x2f: {  	lr =	sadd.s32 s0, s3;
	s0 =	sld [smem:$0x3FAC]  }
0x30: {  	s3 =	sld [smem:$0x3FAF]  }
0x31: {  	[smem:$0x3FB8] =	sst s10  }
0x32: {  	s10 =	sld [smem:$0x3FB6];
	_ =	sdelay $0x3  }
0x33: {  	p0 =	seq.s32 s10, $0x1;
	s10 =	sld [smem:$0x3FB8];
	_ =	sdelay $0x3  }
0x34: {  	[smem:$0x3FB8] =	sst s10  }
0x35: {  	s10 =	sld [smem:$0x3FB7];
	_ =	sdelay $0x3  }
0x36: {  	p1 =	seq.s32 s10, $0x1;
	s10 =	sld [smem:$0x3FB8];
	_ =	sdelay $0x3  }
0x37: {  	[smem:$0x3FB8] =	sst s10  }
0x38: {  	s10 =	sld [smem:$0x3FB9]  }
0x39: {  	_ = 	snop;
	(pc) =	sbr.ind lr, $3  }
0x3a: {  	_ = 	snop  }
0x3b: {  	_ = 	snop  }
0x3c: {  	p2 =	seq.s32 s10, $0x1;
	s10 =	sld [smem:$0x3FB8]  }
0x3d: {  	_ =	shalt  }
0x3e: {  	_ =	shalt  }
0x3f: {  	_ =	shalt  }
0x40: {  	_ =	shalt  }
0x41: {  	_ =	shalt  }
0x42: {  	_ =	shalt  }
0x43: {  	_ =	shalt  }
0x44: {  	_ =	shalt  }
0x45: {  	_ =	shalt  }
0x46: {  	_ =	shalt  }
0x47: {  	_ =	shalt  }
0x48: {  	_ =	shalt  }
0x49: {  	_ =	shalt  }
0x4a: {  	_ =	shalt  }
0x4b: {  	_ =	shalt  }
0x4c: {  	_ =	shalt  }
0x4d: {  	_ =	shalt  }
0x4e: {  	_ =	shalt  }
0x4f: {  	_ =	shalt  }
0x50: {  	_ =	shalt  }
0x51: {  	_ =	shalt  }
0x52: {  	_ =	shalt  }
0x53: {  	_ =	shalt  }
0x54: {  	_ =	shalt  }
0x55: {  	_ =	shalt  }
0x56: {  	_ =	shalt  }
0x57: {  	_ =	shalt  }
0x58: {  	_ =	shalt  }
0x59: {  	_ =	shalt  }
0x5a: {  	_ =	shalt  }
0x5b: {  	_ =	shalt  }
0x5c: {  	_ =	shalt  }
0x5d: {  	_ =	shalt  }
0x5e: {  	_ =	shalt  }
0x5f: {  	_ =	shalt  }
0x60: {  	_ =	shalt  }
0x61: {  	_ =	shalt  }
0x62: {  	_ =	shalt  }
0x63: {  	_ =	shalt  }
0x64: {  	_ =	shalt  }
0x65: {  	_ =	shalt  }
0x66: {  	_ =	shalt  }
0x67: {  	_ =	shalt  }
0x68: {  	_ =	shalt  }
0x69: {  	_ =	shalt  }
0x6a: {  	_ =	shalt  }
0x6b: {  	_ =	shalt  }
0x6c: {  	_ =	shalt  }
0x6d: {  	_ =	shalt  }
0x6e: {  	_ =	shalt  }
0x6f: {  	_ =	shalt  }
0x70: {  	_ =	shalt  }
0x71: {  	_ =	shalt  }
0x72: {  	_ =	shalt  }
0x73: {  	_ =	shalt  }
0x74: {  	_ =	shalt  }
0x75: {  	_ =	shalt  }
0x76: {  	_ =	shalt  }
0x77: {  	_ =	shalt  }
0x78: {  	_ =	shalt  }
0x79: {  	_ =	shalt  }
0x7a: {  	_ =	shalt  }
0x7b: {  	_ =	shalt  }
0x7c: {  	_ =	shalt  }
0x7d: {  	_ =	shalt  }
0x7e: {  	_ =	shalt  }
0x7f: {  	_ =	shalt  }
0x80: {  	_ =	shalt  }
0x81: {  	_ =	shalt  }
0x82: {  	_ =	shalt  }
0x83: {  	_ =	shalt  }
0x84: {  	_ =	shalt  }
0x85: {  	_ =	shalt  }
0x86: {  	_ =	shalt  }
0x87: {  	_ =	shalt  }
.Lfunc_end0:
.L_simem_size_0:
called_computation_lowered:
.L_overlay_start_0:
0x88: {  	s2 =	sld [smem:$0x3FD9]  }
0x89: {  	s3 =	sld [smem:$0x3FFE];
	_ =	sdelay $0x1  }
0x8a: {  	s1 =	srdreg.scid  }
0x8b: {  	s0 =	sand.u32 $0x1, s1  }
0x8c: {  	s17 =	sshll.u32 s0, $0xA;
	s2 =	sadd.s32 s3, s2  }
0x8d: {  	s2 =	sadd.s32 s2, s17  }
0x8e: {  	[smem:$0x3FC4] =	sst s2  }
0x8f: {  	_ = 	snop  }
0x90: {  	s2 =	sld [smem:$0x3FC9]  }
0x91: {  	s18 =	sld [smem:$0x3FC6]  }
0x92: {  	s4 =	sld [smem:$0x3FD0];
	(tm) =	ssettm $0x1  }
0x93: {  	s5 =	sld [smem:$0x3FFB];
	_ =	sdelay $0x3  }
0x94: {  	_ =	strace s5  }
0x95: {  	s5 =	sld [smem:$0x3FFC];
	_ =	sdelay $0x3  }
0x96: {  	_ =	strace s5  }
0x97: {  	s5 =	sld [smem:$0x3FFD];
	_ =	sdelay $0x3  }
0x98: {  	_ =	strace s5  }
0x99: {  	_ =	strace $0x8FFFFFFF  }
0x9a: {  	s19 =	sld [smem:$0x3FDB];
	_ =	sdelay $0x1  }
0x9b: {  	s6 =	simm.s32 $_scs_section_size  }
0x9c: {  	s7 =	simm.s32 $_size__tile_overlayer_lowered;
	s8 =	simm.s32 $_tile_overlayer_lowered  }
0x9d: {  	s22 =	simm.s32 $0x1BFF;
	s21 =	sshll.u32 s8, $0x1;
	s5 =	sadd.s32 s6, s19  }
0x9e: {  	s9 =	simm.s32 $0x0;
	s20 =	sshll.u32 s7, $0x1;
	s7 =	sadd.s32 s21, s5  }
0x9f: {  	[timem:s9], [sflag:s22] =	dma.local [hbm:s7], s20  }
0xa0: {  	_ =	swait.ge [sflag:s22], s20  }
0xa1: {  	s6 =	ssub.s32 $0x0, s20;
	[sflag:s22] =	ssyncset.done $0x0  }
0xa2: {  	[sflag:s22] =	ssyncadd.s32 s6;
	_ =	sdelay $0x1  }
0xa3: {  	s23 =	simm.s32 $0x1B8B  }
0xa4: {  	_ =	swait.ge [sflag:s23], $0x1  }
0xa5: {  	[sflag:s23] =	ssyncset.done $0x0  }
0xa6: {  	s25 =	simm.s32 $0x1B8E;
	s24 =	sld [smem:$0x3FFE];
	[sflag:s23] =	ssyncadd.s32 $0xFFFFFFFF  }
0xa7: {  	s26 =	simm.s32 $execute0_lowered;
	[smem:$0x3FD2] =	sst s25  }
0xa8: {  	s7 =	sshll.u32 s26, $0x1;
	_ =	strace $0x80000046;
	[dreg:$0x1] =	wrdreg $0xFFFFFFFF  }
0xa9: {  	s28 =	simm.s32 $_size_execute0_lowered;
	s5 =	sadd.s32 s5, s7;
	[dreg:$0x0] =	wrdreg $0x0  }
0xaa: {  	s7 =	sshll.u32 s28, $0x1;
	[dreg:$0x2] =	wrdreg s5  }
0xab: {  	[dreg:$0x3] =	wrdreg s7  }
0xac: {  	[dreg:$0x4] =	wrdreg $0xC0  }
0xad: {  	_ =	task [dreg:s9], $0x5FFFF  }
0xae: {  	[dreg:$0x1] =	wrdreg $0xFFFFFFFF  }
0xaf: {  	[dreg:$0x0] =	wrdreg $0x60  }
0xb0: {  	[dreg:$0x2] =	wrdreg s2  }
0xb1: {  	[dreg:$0x3] =	wrdreg s24  }
0xb2: {  	[dreg:$0x4] =	wrdreg s18  }
0xb3: {  	[dreg:$0x5] =	wrdreg s4  }
0xb4: {  	[dreg:$0x6] =	wrdreg $0x9  }
0xb5: {  	_ =	task.clear_ibuf [dreg:s9], $0x7FFFF;
	_ =	strace $0x90000046  }
0xb6: {  	s29 =	simm.s32 $0x9;
	_ =	strace $0x80000048  }
0xb7: {  	_ =	swait.ge [sflag:s29], $0x1  }
0xb8: {  	[sflag:s29] =	ssyncadd.s32 $0xFFFFFFFF  }
0xb9: {  	_ =	strace $0x90000048  }
0xba: {  	_ =	sfence  }
0xbb: {  	s30 =	sld [smem:$0x0];
	_ =	sdelay $0x2  }
0xbc: {  	s31 =	sshll.u32 s1, $0xD;
	s1 =	sshrl.u32 s1, $0x2  }
0xbd: {  	s3 =	sand.u32 $0x4000, s31;
	s1 =	sadd.s32 s1, s30  }
0xbe: {  	s0 =	sor.u32 s3, s0;
	s1 =	sshll.u32 s1, $0x11  }
0xbf: {  	s0 =	sor.u32 s1, s0  }
0xc0: {  	s0 =	sadd.s32 $0x8F2B, s0  }
0xc1: {  	[sflag:s0] =	ssyncadd.remote.s32 $0x1  }
0xc2: {  	_ =	sfence.sel $0xFFFF  }
0xc3: {  	[dreg:$0x0] =	wrdreg $0xFFFFFFFF;
	(pc) =	sbr.abs _section_cstart, $3  }
0xc4: {  	[dreg:$0x1] =	wrdreg $0xFFFFFFFF  }
0xc5: {  	_ =	task.clear_ibuf [dreg:s9], $0x2FFFF;
	_ =	strace $0x9FFFFFFF  }
0xc6: {  	(tm) =	ssettm $0x7FFFFFFF  }
0xc7: {  	_ =	shalt  }
tec
execute0_lowered:
.L_overlay_start_1:
0x0: {  	(tag) =	ssettag $0x1  }
0x1: {  	s0 =	rddreg [dreg:$0x1]  }
0x2: {  	s5 =	rddreg [dreg:$0x2];
	s6 =	simm.s32 $0x0;
	s1 =	srdreg.scid  }
0x3: {  	s4 =	stileid.u32;
	s25 =	simm.s32 $0x2;
	s28 =	simm.s32 $0x100  }
0x4: {  	s30 =	simm.s32 $0x1;
	s31 =	simm.s32 $0x400;
	[smem:$0x7FF] =	sst s6  }
0x5: {  	s1 =	sand.u32 $0x1, s1;
	s2 =	sadd.s32 $0x8800, s0;
	s4 =	sshll.u32 s4, $0xB  }
0x6: {  	s0 =	sadd.s32 $0x800, s0;
	s9 =	sadd.s32 $0x100, s5;
	s10 =	sadd.s32 $0x200, s5  }
0x7: {  	s11 =	sadd.s32 $0x300, s5;
	s12 =	sadd.s32 $0x400, s5;
	s13 =	sadd.s32 $0x500, s5  }
0x8: {  	s14 =	sadd.s32 $0x600, s5;
	s15 =	sadd.s32 $0x700, s5;
	s16 =	sadd.s32 $0x800, s5  }
0x9: {  	s17 =	sadd.s32 $0x900, s5;
	s18 =	sadd.s32 $0xA00, s5;
	s19 =	sadd.s32 $0xB00, s5  }
0xa: {  	v0 =	vlaneseq.u32;
	s20 =	sadd.s32 $0xC00, s5;
	_ =	strace $0x80000047;
	s26 =	ssub.s32 $0x2, s1  }
0xb: {  	v1 =	vand.u32 $0x7, v0;
	v63 =	vshrl.u32 v0, $0x3;
	[dreg:$0x6] =	wrdreg s2;
	s1 =	sshll.u32 s1, $0xA;
	s3 =	sshrl.u32 s26, $0x1  }
0xc: {  	v0 =	vor.u32 $0x8, v0;
	[dreg:$0x7] =	wrdreg s0;
	[tilespmem:$0x1FFD0] =	vst v1;
	v1 =	vmul.u32 $0x8, v63;
	s1 =	sor.u32 s1, s4;
	s29 =	ssub.s32 s26, s3  }
0xd: {  	s21 =	sadd.s32 $0xD00, s5;
	[tilespmem:$0x1FFF0] =	vst v0;
	[dreg:$0x8] =	wrdreg s1;
	s0 =	smax.u32 s29, $0x1  }
0xe: {  	vm0 =	vmmov $0xffff;
	s22 =	sadd.s32 $0xE00, s5;
	s23 =	sadd.s32 $0xF00, s5;
	[tilespmem:$0x1FFE0] =	vst v1;
	[dreg:$0x9] =	wrdreg s0  }
.LBB2_1:
0xf: {  	[dreg:$0x5] =	wrdreg s6;
	s24 =	simm.s32 $0x0  }
.LBB2_2:
0x10: {  	s0 =	sshll.u32 s24, $0x1;
	s1 =	rddreg [dreg:$0x8]  }
0x11: {  	s5 =	rddreg [dreg:$0x6];
	s0 =	sadd.s32 s1, s0  }
0x12: {  	s4 =	simm.s32 $0x0;
	s1 =	sadd.s32 s5, s0  }
0x13: {  	[tilespmem:s4], [sflag:$0x2] =	stream.linear.gather [hbm4b:s1+s4], $0x10, $0x38;
	[tilespmem:$0x14100] =	vst v63  }
0x14: {  	_ =	swait.ge [sflag:s25], $0x10  }
0x15: {  	[sflag:s25] =	ssyncset.done $0x0;
	s6 =	rddreg [dreg:$0x7]  }
0x16: {  	s2 =	simm.s32 $0x80;
	[sflag:s25] =	ssyncadd.s32 $0xFFFFFFF0;
	s1 =	sadd.s32 s6, s0  }
0x17: {  	[tilespmem:s2], [sflag:$0x2] =	stream.linear.gather [hbm4b:s1+s4], $0x10, $0x38;
	[tilespmem:$0x14100] =	vst v63  }
0x18: {  	_ =	swait.ge [sflag:s25], $0x10  }
0x19: {  	[sflag:s25] =	ssyncset.done $0x0  }
0x1a: {  	[sflag:s25] =	ssyncadd.s32 $0xFFFFFFF0  }
0x1b: {  	v0 =	vld [tilespmem:$0x0];
	_ =	sdelay $0x2  }
0x1c: {  	v47 =	vld [tilespmem:$0x1FFD0];
	_ =	sdelay $0x1  }
0x1d: {  	v2 =	vld [tilespmem:$0x1FFE0];
	v1 =	vshll.u32 v0, $0x5  }
0x1e: {  	v0 =	vand.u32 $0x7, v0;
	v1 =	vand.u32 $0xFFFFFF00, v1  }
0x1f: {  	v0 =	vor.u32 v0, v1  }
0x20: {  	v1 =	vperm.xlane v0, v47;
	_ =	sdelay $0x1  }
0x21: {  	v1 =	vadd.s32 v2, v1;
	_ =	sdelay $0x3  }
0x22: {  	s1 =	rddreg [dreg:$0x2]  }
0x23: {  	[tilespmem:s28], [sflag:$0x1] =	stream.indirect_vreg.gather [hbm4b:s1+s4], $0x80, v1, vm0, $0xb8;
	[tilespmem:$0x14100] =	vst v63  }
0x24: {  	s7 =	simm.s32 $0x900  }
0x25: {  	[tilespmem:s7], [sflag:$0x1] =	stream.indirect_vreg.gather [hbm4b:s9+s4], $0x80, v1, vm0, $0xb8;
	[tilespmem:$0x14100] =	vst v63  }
0x26: {  	s8 =	simm.s32 $0x1100  }
0x27: {  	[tilespmem:s8], [sflag:$0x1] =	stream.indirect_vreg.gather [hbm4b:s10+s4], $0x80, v1, vm0, $0xb8;
	[tilespmem:$0x14100] =	vst v63  }
0x28: {  	s26 =	simm.s32 $0x1900  }
0x29: {  	[tilespmem:s26], [sflag:$0x1] =	stream.indirect_vreg.gather [hbm4b:s11+s4], $0x80, v1, vm0, $0xb8;
	[tilespmem:$0x14100] =	vst v63  }
0x2a: {  	s29 =	simm.s32 $0x2100  }
0x2b: {  	[tilespmem:s29], [sflag:$0x1] =	stream.indirect_vreg.gather [hbm4b:s12+s4], $0x80, v1, vm0, $0xb8;
	[tilespmem:$0x14100] =	vst v63  }
0x2c: {  	s3 =	simm.s32 $0x2900  }
0x2d: {  	[tilespmem:s3], [sflag:$0x1] =	stream.indirect_vreg.gather [hbm4b:s13+s4], $0x80, v1, vm0, $0xb8;
	[tilespmem:$0x14100] =	vst v63  }
0x2e: {  	s5 =	simm.s32 $0x3100  }
0x2f: {  	[tilespmem:s5], [sflag:$0x1] =	stream.indirect_vreg.gather [hbm4b:s14+s4], $0x80, v1, vm0, $0xb8;
	[tilespmem:$0x14100] =	vst v63  }
0x30: {  	s6 =	simm.s32 $0x3900  }
0x31: {  	[tilespmem:s6], [sflag:$0x1] =	stream.indirect_vreg.gather [hbm4b:s15+s4], $0x80, v1, vm0, $0xb8;
	[tilespmem:$0x14100] =	vst v63  }
0x32: {  	s7 =	simm.s32 $0x4100  }
0x33: {  	[tilespmem:s7], [sflag:$0x1] =	stream.indirect_vreg.gather [hbm4b:s16+s4], $0x80, v1, vm0, $0xb8;
	[tilespmem:$0x14100] =	vst v63  }
0x34: {  	s8 =	simm.s32 $0x4900  }
0x35: {  	[tilespmem:s8], [sflag:$0x1] =	stream.indirect_vreg.gather [hbm4b:s17+s4], $0x80, v1, vm0, $0xb8;
	[tilespmem:$0x14100] =	vst v63  }
0x36: {  	s26 =	simm.s32 $0x5100  }
0x37: {  	v3 =	vld [tilespmem:$0x1FFF0];
	[tilespmem:s26], [sflag:$0x1] =	stream.indirect_vreg.gather [hbm4b:s18+s4], $0x80, v1, vm0, $0xb8  }
0x38: {  	s29 =	simm.s32 $0x5900  }
0x39: {  	[tilespmem:s29], [sflag:$0x1] =	stream.indirect_vreg.gather [hbm4b:s19+s4], $0x80, v1, vm0, $0xb8;
	[tilespmem:$0x14100] =	vst v63  }
0x3a: {  	s3 =	simm.s32 $0x6100  }
0x3b: {  	[tilespmem:s3], [sflag:$0x1] =	stream.indirect_vreg.gather [hbm4b:s20+s4], $0x80, v1, vm0, $0xb8;
	[tilespmem:$0x14100] =	vst v63  }
0x3c: {  	v0 =	vperm.xlane v0, v3;
	s5 =	simm.s32 $0x6900  }
0x3d: {  	[tilespmem:s5], [sflag:$0x1] =	stream.indirect_vreg.gather [hbm4b:s21+s4], $0x80, v1, vm0, $0xb8;
	[tilespmem:$0x14100] =	vst v63  }
0x3e: {  	v0 =	vadd.s32 v2, v0;
	s6 =	simm.s32 $0x7100  }
0x3f: {  	[tilespmem:s6], [sflag:$0x1] =	stream.indirect_vreg.gather [hbm4b:s22+s4], $0x80, v1, vm0, $0xb8;
	[tilespmem:$0x14100] =	vst v63  }
0x40: {  	s7 =	simm.s32 $0x7900  }
0x41: {  	[tilespmem:s7], [sflag:$0x1] =	stream.indirect_vreg.gather [hbm4b:s23+s4], $0x80, v1, vm0, $0xb8;
	[tilespmem:$0x14100] =	vst v63  }
0x42: {  	s8 =	simm.s32 $0x8100  }
0x43: {  	[tilespmem:s8], [sflag:$0x1] =	stream.indirect_vreg.gather [hbm4b:s1+s4], $0x80, v0, vm0, $0xb8;
	[tilespmem:$0x14100] =	vst v63  }
0x44: {  	s26 =	simm.s32 $0x8900  }
0x45: {  	[tilespmem:s26], [sflag:$0x1] =	stream.indirect_vreg.gather [hbm4b:s9+s4], $0x80, v0, vm0, $0xb8;
	[tilespmem:$0x14100] =	vst v63  }
0x46: {  	s29 =	simm.s32 $0x9100  }
0x47: {  	[tilespmem:s29], [sflag:$0x1] =	stream.indirect_vreg.gather [hbm4b:s10+s4], $0x80, v0, vm0, $0xb8;
	[tilespmem:$0x14100] =	vst v63  }
0x48: {  	s2 =	simm.s32 $0x9900  }
0x49: {  	[tilespmem:s2], [sflag:$0x1] =	stream.indirect_vreg.gather [hbm4b:s11+s4], $0x80, v0, vm0, $0xb8;
	[tilespmem:$0x14100] =	vst v63  }
0x4a: {  	s3 =	simm.s32 $0xA100  }
0x4b: {  	[tilespmem:s3], [sflag:$0x1] =	stream.indirect_vreg.gather [hbm4b:s12+s4], $0x80, v0, vm0, $0xb8;
	[tilespmem:$0x14100] =	vst v63  }
0x4c: {  	s5 =	simm.s32 $0xA900  }
0x4d: {  	[tilespmem:s5], [sflag:$0x1] =	stream.indirect_vreg.gather [hbm4b:s13+s4], $0x80, v0, vm0, $0xb8;
	[tilespmem:$0x14100] =	vst v63  }
0x4e: {  	s6 =	simm.s32 $0xB100  }
0x4f: {  	[tilespmem:s6], [sflag:$0x1] =	stream.indirect_vreg.gather [hbm4b:s14+s4], $0x80, v0, vm0, $0xb8;
	[tilespmem:$0x14100] =	vst v63  }
0x50: {  	s7 =	simm.s32 $0xB900  }
0x51: {  	[tilespmem:s7], [sflag:$0x1] =	stream.indirect_vreg.gather [hbm4b:s15+s4], $0x80, v0, vm0, $0xb8;
	[tilespmem:$0x14100] =	vst v63  }
0x52: {  	s8 =	simm.s32 $0xC100  }
0x53: {  	[tilespmem:s8], [sflag:$0x1] =	stream.indirect_vreg.gather [hbm4b:s16+s4], $0x80, v0, vm0, $0xb8;
	[tilespmem:$0x14100] =	vst v63  }
0x54: {  	s26 =	simm.s32 $0xC900  }
0x55: {  	[tilespmem:s26], [sflag:$0x1] =	stream.indirect_vreg.gather [hbm4b:s17+s4], $0x80, v0, vm0, $0xb8;
	[tilespmem:$0x14100] =	vst v63  }
0x56: {  	s29 =	simm.s32 $0xD100  }
0x57: {  	[tilespmem:s29], [sflag:$0x1] =	stream.indirect_vreg.gather [hbm4b:s18+s4], $0x80, v0, vm0, $0xb8;
	[tilespmem:$0x14100] =	vst v63  }
0x58: {  	s2 =	simm.s32 $0xD900  }
0x59: {  	[tilespmem:s2], [sflag:$0x1] =	stream.indirect_vreg.gather [hbm4b:s19+s4], $0x80, v0, vm0, $0xb8;
	[tilespmem:$0x14100] =	vst v63  }
0x5a: {  	s3 =	simm.s32 $0xE100  }
0x5b: {  	[tilespmem:s3], [sflag:$0x1] =	stream.indirect_vreg.gather [hbm4b:s20+s4], $0x80, v0, vm0, $0xb8;
	[tilespmem:$0x14100] =	vst v63  }
0x5c: {  	s5 =	simm.s32 $0xE900  }
0x5d: {  	[tilespmem:s5], [sflag:$0x1] =	stream.indirect_vreg.gather [hbm4b:s21+s4], $0x80, v0, vm0, $0xb8;
	[tilespmem:$0x14100] =	vst v63  }
0x5e: {  	s6 =	simm.s32 $0xF100  }
0x5f: {  	[tilespmem:s6], [sflag:$0x1] =	stream.indirect_vreg.gather [hbm4b:s22+s4], $0x80, v0, vm0, $0xb8;
	[tilespmem:$0x14100] =	vst v63  }
0x60: {  	s7 =	simm.s32 $0xF900  }
0x61: {  	[tilespmem:s7], [sflag:$0x1] =	stream.indirect_vreg.gather [hbm4b:s23+s4], $0x80, v0, vm0, $0xb8;
	[tilespmem:$0x14100] =	vst v63  }
0x62: {  	_ =	swait.ge [sflag:s30], $0x10000  }
0x63: {  	s0 =	sshll.u32 s0, $0x9;
	s8 =	sshll.u32 s24, $0x5;
	[sflag:s30] =	ssyncset.done $0x0  }
0x64: {  	s0 =	sand.u32 $0xFFF000, s0;
	s1 =	sand.u32 $0x60, s8;
	[sflag:s30] =	ssyncadd.s32 $0xFFFF0000  }
0x65: {  	s1 =	sor.u32 s1, s0;
	s26 =	rddreg [dreg:$0x0]  }
0x66: {  	s29 =	simm.s32 $0x10100;
	s0 =	sadd.s32 s26, s1  }
0x67: {  	[tilespmem:s29], [sflag:$0x2] =	stream.strided.gather [hbm4b:s0+s28], $0x2000, s31, s28, $0x38;
	[tilespmem:$0x14100] =	vst v63  }
0x68: {  	_ =	swait.ge [sflag:s25], $0x2000  }
0x69: {  	[sflag:s25] =	ssyncset.done $0x0  }
0x6a: {  	[sflag:s25] =	ssyncadd.s32 $0xFFFFE000  }
0x6b: {  	v48 =	vld [tilespmem:$0x80];
	_ =	sdelay $0x4  }
0x6c: {  	v49 =	vbroadcast v48, $0x0  }
0x6d: {  	v50 =	vbroadcast v48, $0x1  }
0x6e: {  	v51 =	vbroadcast v48, $0x2;
	[tilespmem:$0x1FED0] =	vst v49  }
0x6f: {  	v52 =	vbroadcast v48, $0x3;
	[tilespmem:$0x1FEE0] =	vst v50  }
0x70: {  	v53 =	vbroadcast v48, $0x4;
	[tilespmem:$0x1FEF0] =	vst v51  }
0x71: {  	v54 =	vbroadcast v48, $0x5;
	[tilespmem:$0x1FF00] =	vst v52  }
0x72: {  	v55 =	vbroadcast v48, $0x6;
	[tilespmem:$0x1FF10] =	vst v53  }
0x73: {  	v56 =	vbroadcast v48, $0x7;
	[tilespmem:$0x1FF20] =	vst v54  }
0x74: {  	v57 =	vbroadcast v48, $0x8;
	[tilespmem:$0x1FF30] =	vst v55  }
0x75: {  	v58 =	vbroadcast v48, $0x9;
	[tilespmem:$0x1FF40] =	vst v56  }
0x76: {  	v59 =	vbroadcast v48, $0xA;
	[tilespmem:$0x1FF50] =	vst v57  }
0x77: {  	v60 =	vbroadcast v48, $0xB;
	[tilespmem:$0x1FF60] =	vst v58  }
0x78: {  	v61 =	vbroadcast v48, $0xC;
	[tilespmem:$0x1FF70] =	vst v59  }
0x79: {  	v62 =	vbroadcast v48, $0xD;
	[tilespmem:$0x1FF80] =	vst v60  }
0x7a: {  	v63 =	vbroadcast v48, $0xE;
	[tilespmem:$0x1FF90] =	vst v61  }
0x7b: {  	v0 =	vbroadcast v48, $0xF;
	[tilespmem:$0x1FFA0] =	vst v62  }
0x7c: {  	[tilespmem:$0x1FFB0] =	vst v63  }
0x7d: {  	[tilespmem:$0x1FFC0] =	vst v0  }
.LBB2_3:
0x7e: {  	s0 =	sshll.u32 s4, $0xA  }
0x7f: {  	v49 =	vld [tilespmem:s0+$0x10100]  }
0x80: {  	v52 =	vld [tilespmem:s0+$0x10110]  }
0x81: {  	v63 =	vld [tilespmem:s0+$0x10120]  }
0x82: {  	v56 =	vld [tilespmem:s0+$0x10130]  }
0x83: {  	v55 =	vld [tilespmem:s0+$0x10140]  }
0x84: {  	v53 =	vld [tilespmem:s0+$0x10150]  }
0x85: {  	s8 =	sshllo.u32 s4, $0x2;
	v61 =	vld [tilespmem:s0+$0x10160]  }
0x86: {  	v17 =	vld [tilespmem:s0+$0x10170];
	s3 =	sshll.u32 s8, $0x8  }
0x87: {  	v62 =	vld [tilespmem:s3+$0x10100]  }
0x88: {  	v4 =	vld [tilespmem:s3+$0x10110]  }
0x89: {  	v5 =	vld [tilespmem:s3+$0x10120]  }
0x8a: {  	v6 =	vld [tilespmem:s3+$0x10130]  }
0x8b: {  	v7 =	vld [tilespmem:s3+$0x10140]  }
0x8c: {  	v8 =	vld [tilespmem:s3+$0x10150]  }
0x8d: {  	s7 =	sshll.u32 s4, $0xC;
	v9 =	vld [tilespmem:s3+$0x10160]  }
0x8e: {  	s7 =	sand.u32 $0x3FFFF000, s7;
	v10 =	vld [tilespmem:s3+$0x10170]  }
0x8f: {  	v1 =	vld [tilespmem:s7+$0x110]  }
0x90: {  	v2 =	vld [tilespmem:s7+$0x120]  }
0x91: {  	v19 =	vld [tilespmem:s7+$0x130]  }
0x92: {  	v20 =	vld [tilespmem:s7+$0x140]  }
0x93: {  	v21 =	vld [tilespmem:s7+$0x150]  }
0x94: {  	s2 =	sshll.u32 s4, $0x2;
	v22 =	vld [tilespmem:s7+$0x160]  }
0x95: {  	s5 =	sor.u32 $0x1, s2;
	v24 =	vld [tilespmem:s7+$0x170]  }
0x96: {  	s29 =	sshll.u32 s5, $0x8;
	v3 =	vld [tilespmem:s7+$0x1D0]  }
0x97: {  	v59 =	vld [tilespmem:s29+$0x10100]  }
0x98: {  	v18 =	vld [tilespmem:s29+$0x10110]  }
0x99: {  	v0 =	vld [tilespmem:s29+$0x10120]  }
0x9a: {  	v42 =	vld [tilespmem:s29+$0x10130]  }
0x9b: {  	v43 =	vld [tilespmem:s29+$0x10140]  }
0x9c: {  	v44 =	vld [tilespmem:s29+$0x10150]  }
0x9d: {  	s6 =	sor.u32 $0x2, s2;
	v45 =	vld [tilespmem:s29+$0x10160]  }
0x9e: {  	s26 =	sshll.u32 s6, $0x8;
	v46 =	vld [tilespmem:s29+$0x10170]  }
0x9f: {  	v47 =	vld [tilespmem:s26+$0x10100]  }
0xa0: {  	v48 =	vld [tilespmem:s26+$0x10110]  }
0xa1: {  	v50 =	vld [tilespmem:s26+$0x10120]  }
0xa2: {  	v51 =	vld [tilespmem:s26+$0x10130]  }
0xa3: {  	v54 =	vld [tilespmem:s26+$0x10140]  }
0xa4: {  	v57 =	vld [tilespmem:s26+$0x10150]  }
0xa5: {  	s5 =	sshll.u32 s5, $0xA;
	v58 =	vld [tilespmem:s26+$0x10160]  }
0xa6: {  	v60 =	vld [tilespmem:s26+$0x10170];
	s2 =	sand.u32 $0x3FFFF400, s5  }
0xa7: {  	v23 =	vld [tilespmem:s2+$0x100]  }
0xa8: {  	v26 =	vld [tilespmem:s2+$0x110]  }
0xa9: {  	v25 =	vld [tilespmem:s2+$0x120]  }
0xaa: {  	v27 =	vld [tilespmem:s2+$0x130]  }
0xab: {  	v28 =	vld [tilespmem:s2+$0x140]  }
0xac: {  	v31 =	vld [tilespmem:s2+$0x150]  }
0xad: {  	s6 =	sshll.u32 s6, $0xA;
	v29 =	vld [tilespmem:s2+$0x160]  }
0xae: {  	s6 =	sand.u32 $0x3FFFF800, s6;
	v32 =	vld [tilespmem:s2+$0x170]  }
0xaf: {  	v30 =	vld [tilespmem:s6+$0x100]  }
0xb0: {  	v33 =	vld [tilespmem:s6+$0x110]  }
0xb1: {  	v34 =	vld [tilespmem:s6+$0x120]  }
0xb2: {  	v36 =	vld [tilespmem:s6+$0x130]  }
0xb3: {  	v35 =	vld [tilespmem:s6+$0x140]  }
0xb4: {  	v38 =	vld [tilespmem:s6+$0x150]  }
0xb5: {  	s8 =	sshll.u32 s8, $0xA;
	v37 =	vld [tilespmem:s6+$0x160]  }
0xb6: {  	s5 =	sand.u32 $0x3FFFFC00, s8;
	v39 =	vld [tilespmem:s6+$0x170]  }
0xb7: {  	v40 =	vld [tilespmem:s5+$0x100]  }
0xb8: {  	v41 =	vld [tilespmem:s5+$0x120]  }
0xb9: {  	v11 =	vld [tilespmem:s2+$0x190]  }
0xba: {  	v12 =	vld [tilespmem:s2+$0x1A0]  }
0xbb: {  	v13 =	vld [tilespmem:s2+$0x1B0]  }
0xbc: {  	v14 =	vld [tilespmem:s2+$0x1C0]  }
0xbd: {  	v15 =	vld [tilespmem:s2+$0x1D0]  }
0xbe: {  	v16 =	vld [tilespmem:s2+$0x1E0]  }
0xbf: {  	[tilespmem:$0x1E990] =	vst v4;
	v4 =	vld [tilespmem:s7+$0x1F0]  }
0xc0: {  	[tilespmem:$0x1E980] =	vst v62;
	v62 =	vld [tilespmem:s2+$0x180]  }
0xc1: {  	[tilespmem:$0x1E9D0] =	vst v8;
	v8 =	vld [tilespmem:s6+$0x180]  }
0xc2: {  	[tilespmem:$0x1E9E0] =	vst v9;
	v9 =	vld [tilespmem:s6+$0x190]  }
0xc3: {  	[tilespmem:$0x1E9F0] =	vst v10;
	v10 =	vld [tilespmem:s6+$0x1A0]  }
0xc4: {  	[tilespmem:$0x1E9B0] =	vst v6;
	v6 =	vld [tilespmem:s6+$0x290]  }
0xc5: {  	[tilespmem:$0x1E9A0] =	vst v5;
	v5 =	vld [tilespmem:s6+$0x2A0]  }
0xc6: {  	[tilespmem:$0x1E9C0] =	vst v7;
	v7 =	vld [tilespmem:s6+$0x2B0]  }
0xc7: {  	[tilespmem:$0x1E8A0] =	vst v0;
	v0 =	vld [tilespmem:s7+$0x100]  }
0xc8: {  	[tilespmem:$0x1E8B0] =	vst v42;
	v42 =	vld [tilespmem:s5+$0x110]  }
0xc9: {  	[tilespmem:$0x1E8D0] =	vst v44;
	v44 =	vld [tilespmem:s5+$0x130]  }
0xca: {  	[tilespmem:$0x1E8C0] =	vst v43;
	v43 =	vld [tilespmem:s5+$0x140]  }
0xcb: {  	[tilespmem:$0x1E8E0] =	vst v45;
	v45 =	vld [tilespmem:s5+$0x150]  }
0xcc: {  	[tilespmem:$0x1E8F0] =	vst v46;
	v46 =	vld [tilespmem:s5+$0x160]  }
0xcd: {  	[tilespmem:$0x1E910] =	vst v48;
	v48 =	vld [tilespmem:s5+$0x170]  }
0xce: {  	[tilespmem:$0x1E900] =	vst v47;
	v47 =	vld [tilespmem:s7+$0x180]  }
0xcf: {  	[tilespmem:$0x1E920] =	vst v50;
	v50 =	vld [tilespmem:s7+$0x190]  }
0xd0: {  	[tilespmem:$0x1E930] =	vst v51;
	v51 =	vld [tilespmem:s7+$0x1A0]  }
0xd1: {  	[tilespmem:$0x1E940] =	vst v54;
	v54 =	vld [tilespmem:s7+$0x1B0]  }
0xd2: {  	[tilespmem:$0x1E960] =	vst v58;
	v58 =	vld [tilespmem:s7+$0x1C0]  }
0xd3: {  	[tilespmem:$0x1E970] =	vst v60;
	v60 =	vld [tilespmem:s7+$0x1E0]  }
0xd4: {  	[tilespmem:$0x1E950] =	vst v57;
	v57 =	vld [tilespmem:s2+$0x1F0]  }
0xd5: {  	[tilespmem:$0x1EA00] =	vst v4;
	v4 =	vld [tilespmem:$0x1FED0]  }
0xd6: {  	[tilespmem:$0x1EA10] =	vst v11;
	v11 =	vld [tilespmem:s6+$0x1B0]  }
0xd7: {  	[tilespmem:$0x1EA20] =	vst v12;
	v12 =	vld [tilespmem:s6+$0x1C0]  }
0xd8: {  	[tilespmem:$0x1EA30] =	vst v13;
	v13 =	vld [tilespmem:s6+$0x1D0]  }
0xd9: {  	[tilespmem:$0x1EA40] =	vst v14;
	v14 =	vld [tilespmem:s6+$0x1E0]  }
0xda: {  	[tilespmem:$0x1EA50] =	vst v15;
	v15 =	vld [tilespmem:s6+$0x1F0];
	v0 =	vmul.f32 v0, v4;
	v1 =	vmul.f32 v1, v4  }
0xdb: {  	[tilespmem:$0x1EA60] =	vst v16;
	v16 =	vld [tilespmem:s5+$0x180];
	v2 =	vmul.f32 v2, v4;
	v19 =	vmul.f32 v19, v4  }
0xdc: {  	[tilespmem:$0x1EA80] =	vst v8;
	v8 =	vld [tilespmem:s5+$0x1A0];
	v20 =	vmul.f32 v20, v4;
	v21 =	vmul.f32 v21, v4  }
0xdd: {  	[tilespmem:$0x1EA90] =	vst v9;
	v9 =	vld [tilespmem:s5+$0x1B0];
	v22 =	vmul.f32 v22, v4;
	v24 =	vmul.f32 v24, v4  }
0xde: {  	[tilespmem:$0x1EAA0] =	vst v10;
	v10 =	vld [tilespmem:s5+$0x1C0];
	v23 =	vmul.f32 v23, v4;
	v26 =	vmul.f32 v26, v4  }
0xdf: {  	[tilespmem:$0x1EA70] =	vst v57;
	v57 =	vld [tilespmem:s5+$0x190];
	v25 =	vmul.f32 v25, v4;
	v27 =	vmul.f32 v27, v4  }
0xe0: {  	[tilespmem:$0x1EAB0] =	vst v11;
	v11 =	vld [tilespmem:s5+$0x1D0];
	v28 =	vmul.f32 v28, v4;
	v31 =	vmul.f32 v31, v4  }
0xe1: {  	[tilespmem:$0x1EAC0] =	vst v12;
	v12 =	vld [tilespmem:s5+$0x1E0];
	v29 =	vmul.f32 v29, v4;
	v32 =	vmul.f32 v32, v4  }
0xe2: {  	[tilespmem:$0x1EAD0] =	vst v13;
	v13 =	vld [tilespmem:s5+$0x1F0];
	v30 =	vmul.f32 v30, v4;
	v33 =	vmul.f32 v33, v4  }
0xe3: {  	[tilespmem:$0x1EAE0] =	vst v14;
	v14 =	vld [tilespmem:s7+$0x200];
	v34 =	vmul.f32 v34, v4;
	v36 =	vmul.f32 v36, v4  }
0xe4: {  	[tilespmem:$0x1EAF0] =	vst v15;
	v15 =	vld [tilespmem:s7+$0x210];
	v35 =	vmul.f32 v35, v4;
	v38 =	vmul.f32 v38, v4  }
0xe5: {  	[tilespmem:$0x1EB00] =	vst v16;
	v16 =	vld [tilespmem:s7+$0x220];
	v37 =	vmul.f32 v37, v4;
	v39 =	vmul.f32 v39, v4  }
0xe6: {  	[tilespmem:$0x1EB20] =	vst v8;
	v8 =	vld [tilespmem:s7+$0x240];
	v40 =	vmul.f32 v40, v4;
	v42 =	vmul.f32 v42, v4  }
0xe7: {  	[tilespmem:$0x1EB30] =	vst v9;
	v9 =	vld [tilespmem:s7+$0x250];
	v41 =	vmul.f32 v41, v4;
	v44 =	vmul.f32 v44, v4  }
0xe8: {  	[tilespmem:$0x1EB40] =	vst v10;
	v10 =	vld [tilespmem:s7+$0x260];
	v43 =	vmul.f32 v43, v4;
	v45 =	vmul.f32 v45, v4  }
0xe9: {  	v46 =	vmul.f32 v46, v4;
	v48 =	vmul.f32 v48, v4;
	v4 =	vld [tilespmem:$0x1FEE0]  }
0xea: {  	[tilespmem:$0x1EB10] =	vst v57;
	v57 =	vld [tilespmem:s7+$0x230]  }
0xeb: {  	[tilespmem:$0x1EB50] =	vst v11;
	v11 =	vld [tilespmem:s7+$0x270]  }
0xec: {  	[tilespmem:$0x1EB60] =	vst v12;
	v12 =	vld [tilespmem:s2+$0x200]  }
0xed: {  	[tilespmem:$0x1EB70] =	vst v13;
	v13 =	vld [tilespmem:s2+$0x210]  }
0xee: {  	[tilespmem:$0x1EB80] =	vst v14;
	v14 =	vld [tilespmem:s2+$0x220]  }
0xef: {  	[tilespmem:$0x1EB90] =	vst v15;
	v15 =	vld [tilespmem:s2+$0x230]  }
0xf0: {  	[tilespmem:$0x1EBA0] =	vst v16;
	v16 =	vld [tilespmem:s2+$0x240]  }
0xf1: {  	v24 =	vadd.f32 v24, v17;
	v17 =	vld [tilespmem:s5+$0x280]  }
0xf2: {  	v0 =	vadd.f32 v0, v49;
	v49 =	vld [tilespmem:$0x1E8A0]  }
0xf3: {  	v26 =	vadd.f32 v26, v18;
	v18 =	vld [tilespmem:s5+$0x290]  }
0xf4: {  	v1 =	vadd.f32 v1, v52;
	v52 =	vld [tilespmem:$0x1E8B0]  }
0xf5: {  	v2 =	vadd.f32 v2, v63;
	v63 =	vld [tilespmem:s5+$0x2A0]  }
0xf6: {  	v21 =	vadd.f32 v21, v53;
	v53 =	vld [tilespmem:$0x1E8C0]  }
0xf7: {  	v20 =	vadd.f32 v20, v55;
	v55 =	vld [tilespmem:s5+$0x2B0]  }
0xf8: {  	v19 =	vadd.f32 v19, v56;
	v56 =	vld [tilespmem:$0x1E8D0]  }
0xf9: {  	v23 =	vadd.f32 v23, v59;
	v59 =	vld [tilespmem:$0x1E8E0]  }
0xfa: {  	v22 =	vadd.f32 v22, v61;
	v61 =	vld [tilespmem:s5+$0x2C0]  }
0xfb: {  	[tilespmem:$0x1EBC0] =	vst v8;
	v8 =	vld [tilespmem:s2+$0x260]  }
0xfc: {  	[tilespmem:$0x1EBD0] =	vst v9;
	v9 =	vld [tilespmem:s2+$0x270]  }
0xfd: {  	[tilespmem:$0x1EBE0] =	vst v10;
	v10 =	vld [tilespmem:s6+$0x200]  }
0xfe: {  	[tilespmem:$0x1EBB0] =	vst v57;
	v57 =	vld [tilespmem:s2+$0x250]  }
0xff: {  	[tilespmem:$0x1EBF0] =	vst v11;
	v11 =	vld [tilespmem:s6+$0x210]  }
0x100: {  	[tilespmem:$0x1EC00] =	vst v12;
	v12 =	vld [tilespmem:s6+$0x220]  }
0x101: {  	[tilespmem:$0x1EC10] =	vst v13;
	v13 =	vld [tilespmem:s6+$0x230]  }
0x102: {  	[tilespmem:$0x1EC20] =	vst v14;
	v14 =	vld [tilespmem:s6+$0x240]  }
0x103: {  	[tilespmem:$0x1EC30] =	vst v15;
	v15 =	vld [tilespmem:s6+$0x250]  }
0x104: {  	[tilespmem:$0x1EC40] =	vst v16;
	v16 =	vld [tilespmem:s6+$0x260]  }
0x105: {  	v27 =	vadd.f32 v27, v52;
	v52 =	vld [tilespmem:$0x1E8F0]  }
0x106: {  	v28 =	vadd.f32 v28, v53;
	v53 =	vld [tilespmem:$0x1E900]  }
0x107: {  	[tilespmem:$0x1EE30] =	vst v55;
	v55 =	vld [tilespmem:s5+$0x2D0]  }
0x108: {  	v31 =	vadd.f32 v31, v56;
	v56 =	vld [tilespmem:$0x1E910]  }
0x109: {  	v29 =	vadd.f32 v29, v59;
	v59 =	vld [tilespmem:s5+$0x2E0]  }
0x10a: {  	v25 =	vadd.f32 v25, v49;
	[tilespmem:$0x1EE40] =	vst v61;
	v61 =	vld [tilespmem:$0x1E920];
	v49 =	vmul.f32 v50, v4;
	v50 =	vmul.f32 v51, v4  }
0x10b: {  	v51 =	vld [tilespmem:s6+$0x350]  }
0x10c: {  	v2 =	vadd.f32 v50, v2;
	v50 =	vld [tilespmem:s2+$0x340]  }
0x10d: {  	[tilespmem:$0x1EC60] =	vst v8;
	v8 =	vld [tilespmem:s5+$0x200]  }
0x10e: {  	[tilespmem:$0x1EC70] =	vst v9;
	v9 =	vld [tilespmem:s5+$0x210]  }
0x10f: {  	[tilespmem:$0x1EC80] =	vst v10;
	v10 =	vld [tilespmem:s5+$0x220]  }
0x110: {  	[tilespmem:$0x1EC50] =	vst v57;
	v57 =	vld [tilespmem:s6+$0x270]  }
0x111: {  	[tilespmem:$0x1EC90] =	vst v11;
	v11 =	vld [tilespmem:s5+$0x230]  }
0x112: {  	[tilespmem:$0x1ECA0] =	vst v12;
	v12 =	vld [tilespmem:s5+$0x240]  }
0x113: {  	[tilespmem:$0x1ECB0] =	vst v13;
	v13 =	vld [tilespmem:s5+$0x250]  }
0x114: {  	[tilespmem:$0x1ECC0] =	vst v14;
	v14 =	vld [tilespmem:s5+$0x260]  }
0x115: {  	[tilespmem:$0x1ECD0] =	vst v15;
	v15 =	vld [tilespmem:s5+$0x270]  }
0x116: {  	[tilespmem:$0x1ECE0] =	vst v16;
	v16 =	vld [tilespmem:s7+$0x280]  }
0x117: {  	v32 =	vadd.f32 v32, v52;
	v52 =	vld [tilespmem:s5+$0x2F0]  }
0x118: {  	v30 =	vadd.f32 v30, v53;
	v53 =	vld [tilespmem:$0x1E930]  }
0x119: {  	[tilespmem:$0x1EE50] =	vst v55;
	v55 =	vld [tilespmem:$0x1E940]  }
0x11a: {  	v33 =	vadd.f32 v33, v56;
	v56 =	vld [tilespmem:s7+$0x300]  }
0x11b: {  	[tilespmem:$0x1EE60] =	vst v59;
	v59 =	vld [tilespmem:$0x1E950]  }
0x11c: {  	v34 =	vadd.f32 v34, v61;
	v61 =	vld [tilespmem:$0x1E960]  }
0x11d: {  	[tilespmem:$0x1EFC0] =	vst v51;
	v51 =	vld [tilespmem:$0x1EB50]  }
0x11e: {  	[tilespmem:$0x1ED00] =	vst v8;
	v8 =	vld [tilespmem:s7+$0x2A0]  }
0x11f: {  	[tilespmem:$0x1ED10] =	vst v9;
	v9 =	vld [tilespmem:s7+$0x2B0]  }
0x120: {  	[tilespmem:$0x1ED20] =	vst v10;
	v10 =	vld [tilespmem:s7+$0x2C0]  }
0x121: {  	[tilespmem:$0x1ECF0] =	vst v57;
	v57 =	vld [tilespmem:s7+$0x290]  }
0x122: {  	[tilespmem:$0x1ED30] =	vst v11;
	v11 =	vld [tilespmem:s7+$0x2D0]  }
0x123: {  	[tilespmem:$0x1ED40] =	vst v12;
	v12 =	vld [tilespmem:s7+$0x2E0]  }
0x124: {  	[tilespmem:$0x1ED50] =	vst v13;
	v13 =	vld [tilespmem:s7+$0x2F0]  }
0x125: {  	[tilespmem:$0x1ED60] =	vst v14;
	v14 =	vld [tilespmem:s2+$0x280]  }
0x126: {  	[tilespmem:$0x1ED70] =	vst v15;
	v15 =	vld [tilespmem:s2+$0x290]  }
0x127: {  	[tilespmem:$0x1ED80] =	vst v16;
	v16 =	vld [tilespmem:s2+$0x2A0]  }
0x128: {  	[tilespmem:$0x1EE70] =	vst v52;
	v52 =	vld [tilespmem:s7+$0x310]  }
0x129: {  	v36 =	vadd.f32 v36, v53;
	v53 =	vld [tilespmem:$0x1E970]  }
0x12a: {  	v35 =	vadd.f32 v35, v55;
	v55 =	vld [tilespmem:s7+$0x320]  }
0x12b: {  	[tilespmem:$0x1EE80] =	vst v56;
	v56 =	vld [tilespmem:$0x1E980]  }
0x12c: {  	v38 =	vadd.f32 v38, v59;
	v59 =	vld [tilespmem:s7+$0x330]  }
0x12d: {  	v37 =	vadd.f32 v37, v61;
	v61 =	vld [tilespmem:$0x1E990]  }
0x12e: {  	[tilespmem:$0x1EDA0] =	vst v8;
	v8 =	vld [tilespmem:s2+$0x2F0]  }
0x12f: {  	[tilespmem:$0x1EDB0] =	vst v9;
	v9 =	vld [tilespmem:s6+$0x280]  }
0x130: {  	[tilespmem:$0x1EDC0] =	vst v10;
	v10 =	vld [tilespmem:s6+$0x2C0]  }
0x131: {  	[tilespmem:$0x1ED90] =	vst v57;
	v57 =	vld [tilespmem:s2+$0x2B0]  }
0x132: {  	[tilespmem:$0x1EE00] =	vst v14;
	v14 =	vld [tilespmem:s2+$0x2C0]  }
0x133: {  	[tilespmem:$0x1EDD0] =	vst v11;
	v11 =	vld [tilespmem:s2+$0x2D0]  }
0x134: {  	[tilespmem:$0x1EDE0] =	vst v12;
	v12 =	vld [tilespmem:s2+$0x2E0]  }
0x135: {  	[tilespmem:$0x1EDF0] =	vst v13;
	v13 =	vld [tilespmem:s6+$0x2D0]  }
0x136: {  	[tilespmem:$0x1EE10] =	vst v15;
	v15 =	vld [tilespmem:s6+$0x2E0]  }
0x137: {  	[tilespmem:$0x1EE20] =	vst v16;
	v16 =	vld [tilespmem:s6+$0x2F0]  }
0x138: {  	[tilespmem:$0x1EE90] =	vst v52;
	v52 =	vld [tilespmem:$0x1E9A0]  }
0x139: {  	v39 =	vadd.f32 v39, v53;
	v53 =	vld [tilespmem:s7+$0x340]  }
0x13a: {  	[tilespmem:$0x1EEA0] =	vst v55;
	v55 =	vld [tilespmem:$0x1E9B0]  }
0x13b: {  	[tilespmem:$0x1EEB0] =	vst v59;
	v59 =	vld [tilespmem:s7+$0x350]  }
0x13c: {  	v40 =	vadd.f32 v40, v56;
	v56 =	vld [tilespmem:$0x1E9C0]  }
0x13d: {  	v42 =	vadd.f32 v42, v61;
	v61 =	vld [tilespmem:$0x1E9D0]  }
0x13e: {  	v41 =	vadd.f32 v41, v52;
	v52 =	vld [tilespmem:s7+$0x360]  }
0x13f: {  	[tilespmem:$0x1EEC0] =	vst v53;
	v53 =	vld [tilespmem:$0x1E9E0]  }
0x140: {  	v44 =	vadd.f32 v44, v55;
	[tilespmem:$0x1EED0] =	vst v59;
	v55 =	vld [tilespmem:s7+$0x370];
	v59 =	vmul.f32 v54, v4  }
0x141: {  	v43 =	vadd.f32 v43, v56;
	v56 =	vld [tilespmem:$0x1E9F0]  }
0x142: {  	v45 =	vadd.f32 v45, v61;
	v61 =	vld [tilespmem:s2+$0x300];
	v19 =	vadd.f32 v59, v19;
	v59 =	vmul.f32 v62, v4  }
0x143: {  	v54 =	vmul.f32 v60, v4;
	v60 =	vld [tilespmem:$0x1EA10]  }
0x144: {  	v23 =	vadd.f32 v59, v23;
	v59 =	vld [tilespmem:s2+$0x360]  }
0x145: {  	[tilespmem:$0x1EEE0] =	vst v52;
	v46 =	vadd.f32 v46, v53;
	v53 =	vld [tilespmem:s2+$0x310]  }
0x146: {  	[tilespmem:$0x1EEF0] =	vst v55;
	v52 =	vmul.f32 v58, v4;
	v55 =	vld [tilespmem:s2+$0x320]  }
0x147: {  	v48 =	vadd.f32 v48, v56;
	v56 =	vld [tilespmem:$0x1EA00]  }
0x148: {  	v20 =	vadd.f32 v52, v20;
	v52 =	vld [tilespmem:$0x1EA20]  }
0x149: {  	[tilespmem:$0x1EF00] =	vst v61;
	v61 =	vmul.f32 v60, v4;
	v60 =	vld [tilespmem:$0x1EA50]  }
0x14a: {  	v22 =	vadd.f32 v54, v22;
	v54 =	vld [tilespmem:s2+$0x350]  }
0x14b: {  	v47 =	vmul.f32 v47, v4;
	[tilespmem:$0x1EF20] =	vst v55;
	v55 =	vld [tilespmem:$0x1EA30]  }
0x14c: {  	[tilespmem:$0x1EF50] =	vst v59;
	v59 =	vld [tilespmem:s6+$0x300]  }
0x14d: {  	v0 =	vadd.f32 v47, v0;
	[tilespmem:$0x1EF10] =	vst v53;
	v58 =	vmul.f32 v56, v4;
	v56 =	vld [tilespmem:$0x1EA40];
	v53 =	vmul.f32 v52, v4  }
0x14e: {  	v47 =	vmul.f32 v3, v4;
	v26 =	vadd.f32 v61, v26;
	v61 =	vmul.f32 v60, v4;
	v60 =	vld [tilespmem:$0x1EA80]  }
0x14f: {  	v25 =	vadd.f32 v53, v25;
	v53 =	vld [tilespmem:$0x1EA60]  }
0x150: {  	v21 =	vadd.f32 v47, v21;
	v47 =	vmul.f32 v55, v4;
	v55 =	vld [tilespmem:s2+$0x370]  }
0x151: {  	[tilespmem:$0x1EF70] =	vst v59;
	v59 =	vld [tilespmem:$0x1EAB0]  }
0x152: {  	v24 =	vadd.f32 v58, v24;
	v58 =	vmul.f32 v56, v4;
	v56 =	vld [tilespmem:$0x1EA70]  }
0x153: {  	v1 =	vadd.f32 v49, v1;
	v49 =	vadd.f32 v61, v31;
	v61 =	vmul.f32 v60, v4;
	v60 =	vld [tilespmem:$0x1EAC0]  }
0x154: {  	[tilespmem:$0x1EF40] =	vst v54;
	v54 =	vmul.f32 v53, v4;
	v53 =	vld [tilespmem:$0x1EA90]  }
0x155: {  	[tilespmem:$0x1EF60] =	vst v55;
	v55 =	vld [tilespmem:$0x1EAA0]  }
0x156: {  	v52 =	vld [tilespmem:s6+$0x310]  }
0x157: {  	v28 =	vadd.f32 v58, v28;
	v31 =	vmul.f32 v59, v4;
	v59 =	vld [tilespmem:s6+$0x340];
	v58 =	vmul.f32 v56, v4  }
0x158: {  	v30 =	vadd.f32 v61, v30;
	v61 =	vmul.f32 v60, v4;
	v60 =	vld [tilespmem:$0x1EAE0]  }
0x159: {  	v32 =	vadd.f32 v58, v32;
	v58 =	vld [tilespmem:s6+$0x320]  }
0x15a: {  	v29 =	vadd.f32 v54, v29;
	v54 =	vmul.f32 v53, v4;
	v53 =	vld [tilespmem:$0x1EAF0];
	v56 =	vmul.f32 v55, v4  }
0x15b: {  	v55 =	vld [tilespmem:s6+$0x330]  }
0x15c: {  	[tilespmem:$0x1EF30] =	vst v50;
	v50 =	vadd.f32 v56, v34;
	v56 =	vld [tilespmem:$0x1EAD0]  }
0x15d: {  	[tilespmem:$0x1EFB0] =	vst v59;
	v59 =	vld [tilespmem:s6+$0x370]  }
0x15e: {  	v35 =	vadd.f32 v61, v35;
	v61 =	vmul.f32 v60, v4;
	v60 =	vld [tilespmem:$0x1EB30]  }
0x15f: {  	[tilespmem:$0x1EF80] =	vst v52;
	v52 =	vadd.f32 v54, v33;
	v54 =	vld [tilespmem:$0x1EB00]  }
0x160: {  	[tilespmem:$0x1EFA0] =	vst v55;
	v55 =	vld [tilespmem:s6+$0x360]  }
0x161: {  	[tilespmem:$0x1EF90] =	vst v58;
	v37 =	vadd.f32 v61, v37;
	v61 =	vld [tilespmem:s5+$0x300];
	v58 =	vmul.f32 v56, v4  }
0x162: {  	v56 =	vld [tilespmem:$0x1EB10]  }
0x163: {  	v3 =	vadd.f32 v58, v38;
	v58 =	vld [tilespmem:$0x1EB20]  }
0x164: {  	v47 =	vadd.f32 v47, v27;
	v27 =	vmul.f32 v53, v4;
	v38 =	vld [tilespmem:$0x1EB40]  }
0x165: {  	[tilespmem:$0x1EFD0] =	vst v55;
	v55 =	vld [tilespmem:$0x1EB60]  }
0x166: {  	v39 =	vadd.f32 v27, v39;
	v27 =	vmul.f32 v60, v4;
	v60 =	vld [tilespmem:$0x1EB80]  }
0x167: {  	v33 =	vmul.f32 v54, v4;
	[tilespmem:$0x1EFF0] =	vst v61;
	v61 =	vld [tilespmem:s5+$0x330]  }
0x168: {  	v36 =	vadd.f32 v31, v36;
	v31 =	vmul.f32 v56, v4;
	v34 =	vmul.f32 v58, v4;
	v58 =	vld [tilespmem:$0x1EB70]  }
0x169: {  	v40 =	vadd.f32 v33, v40;
	v56 =	vld [tilespmem:s5+$0x320]  }
0x16a: {  	v42 =	vadd.f32 v31, v42;
	v31 =	vmul.f32 v38, v4;
	v33 =	vmul.f32 v55, v4;
	v55 =	vld [tilespmem:s5+$0x350]  }
0x16b: {  	v54 =	vadd.f32 v34, v41;
	v41 =	vld [tilespmem:s5+$0x310]  }
0x16c: {  	[tilespmem:$0x1EFE0] =	vst v59;
	v59 =	vadd.f32 v31, v43;
	v43 =	vld [tilespmem:s5+$0x340]  }
0x16d: {  	v53 =	vadd.f32 v27, v44;
	v27 =	vmul.f32 v51, v4;
	[tilespmem:$0x1F020] =	vst v61;
	v31 =	vmul.f32 v58, v4;
	v4 =	vld [tilespmem:$0x1FEF0]  }
0x16e: {  	v44 =	vld [tilespmem:$0x1EBA0];
	[tilespmem:$0x1F010] =	vst v56  }
0x16f: {  	v56 =	vld [tilespmem:$0x1EBB0];
	[tilespmem:$0x1F040] =	vst v55  }
0x170: {  	v62 =	vld [tilespmem:s2+$0x330];
	[tilespmem:$0x1F000] =	vst v41  }
0x171: {  	v41 =	vld [tilespmem:$0x1EB90];
	[tilespmem:$0x1F030] =	vst v43  }
0x172: {  	v34 =	vmul.f32 v60, v4;
	v60 =	vld [tilespmem:$0x1EBC0]  }
0x173: {  	v51 =	vmul.f32 v44, v4;
	v44 =	vld [tilespmem:$0x1EBD0]  }
0x174: {  	v58 =	vmul.f32 v56, v4;
	v56 =	vld [tilespmem:s5+$0x370]  }
0x175: {  	v38 =	vadd.f32 v51, v2;
	v51 =	vld [tilespmem:$0x1EBE0];
	_ =	sdelay $0x1  }
0x176: {  	v43 =	vld [tilespmem:s5+$0x360];
	v61 =	vmul.f32 v60, v4  }
0x177: {  	v19 =	vadd.f32 v58, v19;
	v58 =	vld [tilespmem:$0x1EBF0]  }
0x178: {  	v48 =	vadd.f32 v31, v48;
	v31 =	vmul.f32 v44, v4;
	v20 =	vadd.f32 v61, v20;
	v61 =	vld [tilespmem:s7+$0x380]  }
0x179: {  	[tilespmem:$0x1F060] =	vst v56;
	v56 =	vld [tilespmem:$0x1EC10];
	v55 =	vmul.f32 v51, v4  }
0x17a: {  	v21 =	vadd.f32 v31, v21;
	v31 =	vld [tilespmem:$0x1EC00]  }
0x17b: {  	v51 =	vadd.f32 v55, v22;
	v55 =	vld [tilespmem:s7+$0x390]  }
0x17c: {  	v22 =	vld [tilespmem:$0x1EC30]  }
0x17d: {  	[tilespmem:$0x1F070] =	vst v61;
	v61 =	vld [tilespmem:s7+$0x3A0]  }
0x17e: {  	v45 =	vadd.f32 v27, v45;
	v27 =	vmul.f32 v41, v4;
	v41 =	vld [tilespmem:s7+$0x3B0];
	v60 =	vmul.f32 v58, v4  }
0x17f: {  	v46 =	vadd.f32 v33, v46;
	v34 =	vadd.f32 v34, v0;
	v58 =	vld [tilespmem:$0x1EC20];
	v33 =	vmul.f32 v31, v4  }
0x180: {  	v0 =	vadd.f32 v27, v1;
	[tilespmem:$0x1F080] =	vst v55;
	v55 =	vadd.f32 v60, v24;
	v24 =	vld [tilespmem:$0x1EC40]  }
0x181: {  	v27 =	vmul.f32 v56, v4;
	v31 =	vadd.f32 v33, v23;
	v23 =	vmul.f32 v22, v4;
	v22 =	vld [tilespmem:$0x1EC60]  }
0x182: {  	[tilespmem:$0x1F090] =	vst v61;
	v61 =	vld [tilespmem:s7+$0x3C0]  }
0x183: {  	v26 =	vadd.f32 v27, v26;
	v27 =	vld [tilespmem:$0x1EC70]  }
0x184: {  	[tilespmem:$0x1F0A0] =	vst v41;
	v41 =	vld [tilespmem:$0x1EC80]  }
0x185: {  	v60 =	vmul.f32 v58, v4;
	v58 =	vld [tilespmem:$0x1EC50]  }
0x186: {  	v47 =	vadd.f32 v23, v47;
	v33 =	vmul.f32 v24, v4;
	v23 =	vmul.f32 v22, v4;
	v24 =	vld [tilespmem:s7+$0x3D0]  }
0x187: {  	[tilespmem:$0x1F0B0] =	vst v61;
	v61 =	vld [tilespmem:$0x1EC90]  }
0x188: {  	v28 =	vadd.f32 v33, v28;
	v33 =	vmul.f32 v27, v4;
	v29 =	vadd.f32 v23, v29;
	v23 =	vld [tilespmem:$0x1ECA0]  }
0x189: {  	v56 =	vld [tilespmem:$0x1ECC0]  }
0x18a: {  	v32 =	vadd.f32 v33, v32;
	v33 =	vld [tilespmem:$0x1ECB0]  }
0x18b: {  	v25 =	vadd.f32 v60, v25;
	v60 =	vmul.f32 v58, v4;
	v58 =	vld [tilespmem:s7+$0x3E0]  }
0x18c: {  	v27 =	vld [tilespmem:s7+$0x3F0];
	v22 =	vmul.f32 v61, v4  }
0x18d: {  	[tilespmem:$0x1F0C0] =	vst v24;
	v24 =	vmul.f32 v23, v4;
	v23 =	vld [tilespmem:s2+$0x390]  }
0x18e: {  	v61 =	vadd.f32 v22, v52;
	v22 =	vld [tilespmem:$0x1ECE0]  }
0x18f: {  	[tilespmem:$0x1F050] =	vst v43;
	v43 =	vmul.f32 v41, v4;
	v60 =	vadd.f32 v60, v49;
	v49 =	vld [tilespmem:s2+$0x380];
	v41 =	vmul.f32 v33, v4  }
0x190: {  	v50 =	vadd.f32 v24, v50;
	v24 =	vld [tilespmem:$0x1ECD0]  }
0x191: {  	v44 =	vadd.f32 v41, v36;
	v41 =	vld [tilespmem:s2+$0x3A0]  }
0x192: {  	v30 =	vadd.f32 v43, v30;
	v43 =	vld [tilespmem:$0x1ECF0];
	[tilespmem:$0x1F0D0] =	vst v58  }
0x193: {  	[tilespmem:$0x1F100] =	vst v23;
	v23 =	vmul.f32 v22, v4;
	v22 =	vld [tilespmem:$0x1ED10]  }
0x194: {  	v58 =	vmul.f32 v56, v4;
	[tilespmem:$0x1F0F0] =	vst v49;
	v49 =	vld [tilespmem:$0x1ED00]  }
0x195: {  	[tilespmem:$0x1F0E0] =	vst v27;
	v33 =	vld [tilespmem:s2+$0x3E0]  }
0x196: {  	v27 =	vmul.f32 v24, v4;
	[tilespmem:$0x1F110] =	vst v41;
	v41 =	vadd.f32 v58, v35;
	v58 =	vld [tilespmem:s2+$0x3B0]  }
0x197: {  	v35 =	vmul.f32 v43, v4;
	v43 =	vld [tilespmem:s2+$0x3C0]  }
0x198: {  	v24 =	vadd.f32 v27, v3;
	v27 =	vadd.f32 v23, v37;
	v23 =	vmul.f32 v22, v4;
	v22 =	vld [tilespmem:$0x1ED30]  }
0x199: {  	v56 =	vmul.f32 v49, v4;
	v49 =	vld [tilespmem:$0x1ED20]  }
0x19a: {  	v2 =	vadd.f32 v35, v39;
	v35 =	vld [tilespmem:$0x1ED50]  }
0x19b: {  	[tilespmem:$0x1F150] =	vst v33;
	v33 =	vld [tilespmem:s6+$0x3E0]  }
0x19c: {  	[tilespmem:$0x1F120] =	vst v58;
	v58 =	vld [tilespmem:s2+$0x3D0]  }
0x19d: {  	[tilespmem:$0x1F130] =	vst v43;
	v43 =	vadd.f32 v56, v40;
	v40 =	vld [tilespmem:$0x1ED60];
	v42 =	vadd.f32 v23, v42;
	v23 =	vmul.f32 v22, v4  }
0x19e: {  	v52 =	vmul.f32 v49, v4;
	v56 =	vld [tilespmem:$0x1ED40]  }
0x19f: {  	v35 =	vmul.f32 v35, v4;
	v22 =	vadd.f32 v23, v53;
	v53 =	vld [tilespmem:$0x1ED70]  }
0x1a0: {  	v36 =	vadd.f32 v52, v54;
	v52 =	vld [tilespmem:s2+$0x3F0]  }
0x1a1: {  	v3 =	vadd.f32 v35, v45;
	v45 =	vld [tilespmem:s6+$0x390]  }
0x1a2: {  	v49 =	vmul.f32 v40, v4;
	v40 =	vld [tilespmem:$0x1ED80]  }
0x1a3: {  	[tilespmem:$0x1F140] =	vst v58;
	v58 =	vmul.f32 v56, v4;
	v56 =	vld [tilespmem:$0x1EDA0]  }
0x1a4: {  	v54 =	vmul.f32 v53, v4;
	v4 =	vld [tilespmem:$0x1FF00]  }
0x1a5: {  	v46 =	vadd.f32 v49, v46;
	v49 =	vld [tilespmem:$0x1ED90]  }
0x1a6: {  	[tilespmem:$0x1F170] =	vst v45;
	v45 =	vld [tilespmem:$0x1EDB0]  }
0x1a7: {  	[tilespmem:$0x1F160] =	vst v52;
	v52 =	vadd.f32 v54, v48;
	v48 =	vld [tilespmem:$0x1EDC0]  }
0x1a8: {  	v54 =	vld [tilespmem:s6+$0x3B0]  }
0x1a9: {  	v35 =	vmul.f32 v40, v4;
	v40 =	vld [tilespmem:s6+$0x3A0]  }
0x1aa: {  	v23 =	vadd.f32 v58, v59;
	v58 =	vmul.f32 v56, v4;
	v56 =	vld [tilespmem:$0x1EDD0]  }
0x1ab: {  	v39 =	vld [tilespmem:$0x1EE10];
	v53 =	vmul.f32 v49, v4  }
0x1ac: {  	v49 =	vmul.f32 v48, v4;
	v48 =	vld [tilespmem:s6+$0x3C0]  }
0x1ad: {  	[tilespmem:$0x1F190] =	vst v54;
	v54 =	vadd.f32 v53, v0;
	v53 =	vld [tilespmem:s6+$0x3D0]  }
0x1ae: {  	v34 =	vadd.f32 v35, v34;
	[tilespmem:$0x1F180] =	vst v40;
	v40 =	vadd.f32 v49, v20;
	v49 =	vld [tilespmem:$0x1EDE0]  }
0x1af: {  	v35 =	vmul.f32 v45, v4;
	v45 =	vadd.f32 v58, v38;
	v58 =	vmul.f32 v56, v4;
	v56 =	vld [tilespmem:$0x1EDF0]  }
0x1b0: {  	v20 =	vld [tilespmem:$0x1EE00]  }
0x1b1: {  	v59 =	vld [tilespmem:s6+$0x380]  }
0x1b2: {  	v38 =	vmul.f32 v7, v4;
	v7 =	vld [tilespmem:s5+$0x3E0]  }
0x1b3: {  	[tilespmem:$0x1F1A0] =	vst v48;
	v48 =	vld [tilespmem:$0x1EE20]  }
0x1b4: {  	v19 =	vadd.f32 v35, v19;
	[tilespmem:$0x1F1B0] =	vst v53;
	v53 =	vld [tilespmem:s5+$0x390];
	v35 =	vmul.f32 v49, v4  }
0x1b5: {  	v49 =	vadd.f32 v58, v21;
	v58 =	vmul.f32 v56, v4;
	v21 =	vmul.f32 v20, v4;
	v20 =	vld [tilespmem:s6+$0x3F0]  }
0x1b6: {  	[tilespmem:$0x1F1C0] =	vst v33;
	v56 =	vmul.f32 v11, v4;
	v11 =	vmul.f32 v8, v4;
	v8 =	vld [tilespmem:s7+$0x400];
	v33 =	vadd.f32 v35, v51  }
0x1b7: {  	v35 =	vmul.f32 v39, v4;
	v31 =	vadd.f32 v21, v31;
	v21 =	vmul.f32 v57, v4;
	v57 =	vld [tilespmem:s5+$0x380]  }
0x1b8: {  	v51 =	vmul.f32 v48, v4;
	v55 =	vadd.f32 v58, v55;
	v58 =	vmul.f32 v12, v4;
	v12 =	vld [tilespmem:s5+$0x3A0]  }
0x1b9: {  	v32 =	vadd.f32 v11, v32;
	v11 =	vld [tilespmem:s5+$0x3F0]  }
0x1ba: {  	[tilespmem:$0x1F1E0] =	vst v53;
	v53 =	vmul.f32 v10, v4;
	v26 =	vadd.f32 v35, v26;
	v48 =	vadd.f32 v51, v25;
	v25 =	vld [tilespmem:s5+$0x3C0]  }
0x1bb: {  	v51 =	vmul.f32 v14, v4;
	v47 =	vadd.f32 v21, v47;
	v14 =	vmul.f32 v9, v4;
	[tilespmem:$0x1F1D0] =	vst v20;
	v20 =	vld [tilespmem:s5+$0x3B0]  }
0x1bc: {  	v10 =	vld [tilespmem:s7+$0x420];
	v29 =	vadd.f32 v58, v29;
	v21 =	vmul.f32 v6, v4;
	v35 =	vmul.f32 v5, v4  }
0x1bd: {  	v5 =	vld [tilespmem:s5+$0x3D0];
	v58 =	vmul.f32 v15, v4;
	v15 =	vmul.f32 v18, v4;
	v39 =	vadd.f32 v51, v28  }
0x1be: {  	v37 =	vadd.f32 v14, v30;
	v51 =	vadd.f32 v21, v61;
	v14 =	vmul.f32 v17, v4;
	v17 =	vld [tilespmem:$0x1EE30]  }
0x1bf: {  	v61 =	vadd.f32 v38, v44;
	v38 =	vadd.f32 v58, v27;
	v27 =	vld [tilespmem:$0x1EE40];
	[tilespmem:$0x1F200] =	vst v25  }
0x1c0: {  	v25 =	vadd.f32 v15, v42;
	v42 =	vld [tilespmem:$0x1EE50];
	[tilespmem:$0x1F1F0] =	vst v20;
	v20 =	vadd.f32 v56, v60;
	v56 =	vmul.f32 v13, v4  }
0x1c1: {  	v60 =	vld [tilespmem:$0x1EE70]  }
0x1c2: {  	v24 =	vadd.f32 v56, v24;
	v56 =	vld [tilespmem:$0x1EE60]  }
0x1c3: {  	v9 =	vld [tilespmem:s7+$0x410]  }
0x1c4: {  	v30 =	vadd.f32 v35, v50;
	[tilespmem:$0x1F210] =	vst v11;
	v11 =	vld [tilespmem:s7+$0x430];
	v13 =	vmul.f32 v16, v4  }
0x1c5: {  	v43 =	vadd.f32 v14, v43;
	v14 =	vld [tilespmem:s7+$0x450];
	v16 =	vmul.f32 v63, v4;
	v18 =	vmul.f32 v17, v4  }
0x1c6: {  	v21 =	vadd.f32 v53, v41;
	v35 =	vmul.f32 v27, v4;
	v27 =	vld [tilespmem:$0x1EE80];
	v53 =	vmul.f32 v42, v4  }
0x1c7: {  	v63 =	vmul.f32 v60, v4;
	v58 =	vmul.f32 v56, v4;
	v4 =	vld [tilespmem:$0x1FF10]  }
0x1c8: {  	v56 =	vld [tilespmem:$0x1EE90]  }
0x1c9: {  	v52 =	vadd.f32 v63, v52;
	v63 =	vld [tilespmem:$0x1EEB0]  }
0x1ca: {  	v15 =	vld [tilespmem:s7+$0x460]  }
0x1cb: {  	v60 =	vld [tilespmem:$0x1EEA0]  }
0x1cc: {  	v42 =	vld [tilespmem:$0x1EF10]  }
0x1cd: {  	v44 =	vadd.f32 v35, v23;
	v35 =	vmul.f32 v27, v4;
	v27 =	vld [tilespmem:$0x1EEC0]  }
0x1ce: {  	v46 =	vadd.f32 v58, v46;
	v58 =	vmul.f32 v56, v4;
	v6 =	vmul.f32 v63, v4;
	v56 =	vld [tilespmem:$0x1EEE0]  }
0x1cf: {  	v34 =	vadd.f32 v35, v34;
	v35 =	vld [tilespmem:s2+$0x410]  }
0x1d0: {  	v53 =	vadd.f32 v53, v3;
	v0 =	vmul.f32 v60, v4;
	v3 =	vadd.f32 v6, v19;
	v6 =	vld [tilespmem:$0x1EF40]  }
0x1d1: {  	v54 =	vadd.f32 v58, v54;
	v58 =	vld [tilespmem:s2+$0x420]  }
0x1d2: {  	v41 =	vadd.f32 v0, v45;
	v45 =	vld [tilespmem:$0x1EED0];
	v28 =	vmul.f32 v27, v4  }
0x1d3: {  	v27 =	vld [tilespmem:$0x1EF00]  }
0x1d4: {  	[tilespmem:$0x1F220] =	vst v35;
	v35 =	vadd.f32 v28, v40;
	v28 =	vld [tilespmem:s2+$0x430]  }
0x1d5: {  	v22 =	vadd.f32 v18, v22;
	v60 =	vld [tilespmem:$0x1EEF0];
	v18 =	vmul.f32 v6, v4  }
0x1d6: {  	[tilespmem:$0x1F230] =	vst v58;
	v58 =	vld [tilespmem:$0x1EF20]  }
0x1d7: {  	v20 =	vadd.f32 v18, v20;
	v18 =	vld [tilespmem:$0x1EF80]  }
0x1d8: {  	v50 =	vadd.f32 v13, v2;
	v62 =	vmul.f32 v62, v4;
	v2 =	vmul.f32 v27, v4;
	v27 =	vld [tilespmem:$0x1EF50]  }
0x1d9: {  	v1 =	vmul.f32 v56, v4;
	v0 =	vmul.f32 v45, v4;
	[tilespmem:$0x1F240] =	vst v28;
	v28 =	vld [tilespmem:$0x1EF60]  }
0x1da: {  	v17 =	vld [tilespmem:s2+$0x400];
	v36 =	vadd.f32 v16, v36;
	v63 =	vmul.f32 v60, v4;
	v45 =	vmul.f32 v42, v4  }
0x1db: {  	v13 =	vld [tilespmem:s7+$0x440];
	v23 =	vadd.f32 v1, v33;
	v19 =	vadd.f32 v0, v49;
	v0 =	vmul.f32 v58, v4  }
0x1dc: {  	v55 =	vadd.f32 v63, v55;
	v63 =	vld [tilespmem:$0x1EF30];
	v45 =	vadd.f32 v45, v26  }
0x1dd: {  	v26 =	vadd.f32 v62, v47;
	v62 =	vld [tilespmem:$0x1EF70];
	v33 =	vadd.f32 v0, v48;
	v0 =	vmul.f32 v27, v4  }
0x1de: {  	v16 =	vld [tilespmem:s7+$0x470];
	v40 =	vadd.f32 v2, v31;
	v31 =	vmul.f32 v28, v4;
	v28 =	vmul.f32 v18, v4  }
0x1df: {  	v42 =	vadd.f32 v0, v29;
	v29 =	vld [tilespmem:$0x1EF90]  }
0x1e0: {  	v28 =	vadd.f32 v28, v51;
	v51 =	vld [tilespmem:$0x1EFC0]  }
0x1e1: {  	v6 =	vld [tilespmem:s6+$0x410]  }
0x1e2: {  	v60 =	vld [tilespmem:s2+$0x450];
	v2 =	vmul.f32 v63, v4;
	v63 =	vmul.f32 v62, v4  }
0x1e3: {  	v47 =	vld [tilespmem:$0x1EFB0]  }
0x1e4: {  	v37 =	vadd.f32 v63, v37;
	v63 =	vld [tilespmem:$0x1EFD0]  }
0x1e5: {  	v48 =	vadd.f32 v31, v32;
	v32 =	vld [tilespmem:$0x1EFA0];
	v0 =	vmul.f32 v29, v4;
	v62 =	vmul.f32 v51, v4  }
0x1e6: {  	[tilespmem:$0x1F260] =	vst v6;
	v6 =	vld [tilespmem:$0x1EFE0]  }
0x1e7: {  	v29 =	vadd.f32 v0, v30;
	v30 =	vadd.f32 v62, v24;
	v24 =	vld [tilespmem:s6+$0x460]  }
0x1e8: {  	v27 =	vadd.f32 v2, v39;
	v2 =	vmul.f32 v47, v4;
	v62 =	vld [tilespmem:$0x1F010]  }
0x1e9: {  	v56 =	vld [tilespmem:s2+$0x460]  }
0x1ea: {  	v1 =	vmul.f32 v32, v4;
	v32 =	vadd.f32 v2, v21;
	v2 =	vmul.f32 v63, v4;
	v63 =	vld [tilespmem:s6+$0x470]  }
0x1eb: {  	v18 =	vmul.f32 v6, v4;
	v6 =	vld [tilespmem:$0x1F020]  }
0x1ec: {  	v31 =	vld [tilespmem:s6+$0x420]  }
0x1ed: {  	[tilespmem:$0x1F280] =	vst v24;
	v24 =	vadd.f32 v2, v38;
	v2 =	vmul.f32 v62, v4;
	v62 =	vld [tilespmem:s5+$0x400]  }
0x1ee: {  	v38 =	vld [tilespmem:$0x1F000]  }
0x1ef: {  	[tilespmem:$0x1F290] =	vst v63;
	v63 =	vld [tilespmem:$0x1F030]  }
0x1f0: {  	v21 =	vld [tilespmem:$0x1EFF0]  }
0x1f1: {  	v49 =	vld [tilespmem:s2+$0x440]  }
0x1f2: {  	[tilespmem:$0x1F2A0] =	vst v62;
	v62 =	vld [tilespmem:$0x1F050]  }
0x1f3: {  	[tilespmem:$0x1F270] =	vst v31;
	v31 =	vadd.f32 v1, v61;
	v61 =	vadd.f32 v18, v50;
	v50 =	vld [tilespmem:$0x1F040];
	v1 =	vmul.f32 v38, v4  }
0x1f4: {  	v18 =	vmul.f32 v6, v4;
	v6 =	vmul.f32 v63, v4;
	v38 =	vld [tilespmem:s5+$0x410]  }
0x1f5: {  	[tilespmem:$0x1F250] =	vst v60;
	v60 =	vld [tilespmem:s6+$0x400];
	v0 =	vmul.f32 v21, v4;
	v21 =	vadd.f32 v1, v25  }
0x1f6: {  	v25 =	vadd.f32 v2, v36;
	v36 =	vadd.f32 v6, v44;
	v6 =	vld [tilespmem:$0x1FF20]  }
0x1f7: {  	v63 =	vmul.f32 v62, v4;
	v62 =	vld [tilespmem:$0x1F070]  }
0x1f8: {  	v44 =	vld [tilespmem:$0x1F060]  }
0x1f9: {  	[tilespmem:$0x1F2B0] =	vst v38;
	v38 =	vadd.f32 v18, v22;
	v22 =	vmul.f32 v50, v4;
	v18 =	vld [tilespmem:s5+$0x420]  }
0x1fa: {  	v46 =	vadd.f32 v63, v46;
	v63 =	vld [tilespmem:$0x1F080]  }
0x1fb: {  	v22 =	vadd.f32 v22, v53;
	v53 =	vld [tilespmem:$0x1F090]  }
0x1fc: {  	v1 =	vmul.f32 v62, v6;
	v62 =	vld [tilespmem:$0x1F0A0]  }
0x1fd: {  	v58 =	vld [tilespmem:s2+$0x470]  }
0x1fe: {  	v47 =	vld [tilespmem:s6+$0x430]  }
0x1ff: {  	v43 =	vadd.f32 v0, v43;
	v0 =	vmul.f32 v44, v4;
	[tilespmem:$0x1F2C0] =	vst v18;
	v18 =	vld [tilespmem:s5+$0x440];
	v4 =	vmul.f32 v63, v6  }
0x200: {  	v39 =	vld [tilespmem:s6+$0x440];
	v34 =	vadd.f32 v1, v34;
	v1 =	vmul.f32 v53, v6  }
0x201: {  	v54 =	vadd.f32 v4, v54;
	v4 =	vld [tilespmem:$0x1F0B0];
	v63 =	vmul.f32 v62, v6  }
0x202: {  	v1 =	vadd.f32 v1, v41;
	v41 =	vld [tilespmem:$0x1F0C0]  }
0x203: {  	v62 =	vadd.f32 v63, v3;
	v63 =	vld [tilespmem:$0x1F0E0]  }
0x204: {  	[tilespmem:$0x1F2D0] =	vst v18;
	v18 =	vld [tilespmem:s5+$0x460]  }
0x205: {  	v51 =	vld [tilespmem:s6+$0x450]  }
0x206: {  	v50 =	vld [tilespmem:$0x1F0D0]  }
0x207: {  	v2 =	vld [tilespmem:s2+$0x4A0];
	v52 =	vadd.f32 v0, v52;
	v0 =	vmul.f32 v4, v6  }
0x208: {  	[tilespmem:$0x1F330] =	vst v1;
	v1 =	vmul.f32 v41, v6;
	v41 =	vld [tilespmem:$0x1F0F0];
	v4 =	vmul.f32 v63, v6  }
0x209: {  	[tilespmem:$0x1F2E0] =	vst v18;
	v18 =	vld [tilespmem:s7+$0x480]  }
0x20a: {  	[tilespmem:$0x1F350] =	vst v62;
	v62 =	vadd.f32 v4, v55;
	v4 =	vld [tilespmem:$0x1F110]  }
0x20b: {  	v53 =	vmul.f32 v50, v6;
	v63 =	vld [tilespmem:$0x1F100]  }
0x20c: {  	v44 =	vld [tilespmem:s5+$0x430]  }
0x20d: {  	v23 =	vadd.f32 v53, v23;
	[tilespmem:$0x1F310] =	vst v54;
	v54 =	vld [tilespmem:s7+$0x490];
	v53 =	vmul.f32 v41, v6  }
0x20e: {  	[tilespmem:$0x1F3B0] =	vst v62;
	v62 =	vld [tilespmem:$0x1F120]  }
0x20f: {  	[tilespmem:$0x1F300] =	vst v18;
	v41 =	vadd.f32 v53, v40;
	v53 =	vld [tilespmem:$0x1F170];
	v18 =	vmul.f32 v4, v6  }
0x210: {  	[tilespmem:$0x1F390] =	vst v23;
	v23 =	vmul.f32 v63, v6;
	v63 =	vld [tilespmem:$0x1F130]  }
0x211: {  	v33 =	vadd.f32 v18, v33;
	v18 =	vld [tilespmem:$0x1F140]  }
0x212: {  	v50 =	vld [tilespmem:s5+$0x470]  }
0x213: {  	[tilespmem:$0x1F2F0] =	vst v34;
	v0 =	vadd.f32 v0, v35;
	v55 =	vld [tilespmem:s7+$0x4A0]  }
0x214: {  	v19 =	vadd.f32 v1, v19;
	[tilespmem:$0x1F320] =	vst v54;
	v54 =	vmul.f32 v62, v6;
	v62 =	vld [tilespmem:s7+$0x4C0]  }
0x215: {  	v34 =	vld [tilespmem:s5+$0x450];
	[tilespmem:$0x1F360] =	vst v0;
	v0 =	vmul.f32 v59, v6;
	v59 =	vmul.f32 v53, v6  }
0x216: {  	[tilespmem:$0x1F380] =	vst v19;
	v4 =	vmul.f32 v63, v6;
	v63 =	vld [tilespmem:$0x1F150];
	v19 =	vmul.f32 v18, v6  }
0x217: {  	v28 =	vadd.f32 v59, v28;
	v59 =	vld [tilespmem:$0x1F1A0]  }
0x218: {  	[tilespmem:$0x1F340] =	vst v55;
	v55 =	vadd.f32 v19, v20;
	v20 =	vld [tilespmem:$0x1F160]  }
0x219: {  	[tilespmem:$0x1F370] =	vst v62;
	v62 =	vld [tilespmem:$0x1F180]  }
0x21a: {  	v35 =	vld [tilespmem:s2+$0x490]  }
0x21b: {  	v45 =	vadd.f32 v23, v45;
	v23 =	vld [tilespmem:s7+$0x4E0];
	v27 =	vadd.f32 v4, v27;
	v4 =	vmul.f32 v63, v6  }
0x21c: {  	v19 =	vld [tilespmem:$0x1F1D0]  }
0x21d: {  	v1 =	vadd.f32 v4, v42;
	v4 =	vld [tilespmem:$0x1F1C0];
	v20 =	vmul.f32 v20, v6  }
0x21e: {  	v63 =	vmul.f32 v62, v6;
	v62 =	vmul.f32 v59, v6;
	v59 =	vld [tilespmem:$0x1F1E0]  }
0x21f: {  	v20 =	vadd.f32 v20, v48;
	v48 =	vld [tilespmem:$0x1F190]  }
0x220: {  	v3 =	vadd.f32 v63, v29;
	v63 =	vld [tilespmem:$0x1F1B0]  }
0x221: {  	v40 =	vld [tilespmem:s7+$0x4B0]  }
0x222: {  	v54 =	vadd.f32 v54, v26;
	v26 =	vld [tilespmem:s7+$0x4D0]  }
0x223: {  	v0 =	vadd.f32 v0, v37;
	v42 =	vld [tilespmem:s7+$0x4F0];
	v18 =	vmul.f32 v4, v6  }
0x224: {  	[tilespmem:$0x1F3A0] =	vst v23;
	v29 =	vadd.f32 v62, v32;
	v23 =	vmul.f32 v19, v6;
	v62 =	vld [tilespmem:s2+$0x4D0];
	v53 =	vmul.f32 v48, v6  }
0x225: {  	v32 =	vld [tilespmem:s6+$0x490];
	v24 =	vadd.f32 v18, v24;
	v18 =	vmul.f32 v59, v6;
	v37 =	vmul.f32 v63, v6  }
0x226: {  	v19 =	vmul.f32 v12, v6;
	v59 =	vld [tilespmem:s2+$0x4C0];
	v31 =	vadd.f32 v53, v31;
	v53 =	vmul.f32 v57, v6  }
0x227: {  	v30 =	vadd.f32 v37, v30;
	v37 =	vadd.f32 v18, v21;
	v18 =	vmul.f32 v5, v6;
	v57 =	vld [tilespmem:$0x1F200]  }
0x228: {  	v25 =	vadd.f32 v19, v25;
	v19 =	vmul.f32 v7, v6;
	v43 =	vadd.f32 v53, v43;
	v53 =	vld [tilespmem:$0x1F1F0]  }
0x229: {  	v22 =	vadd.f32 v18, v22;
	v18 =	vld [tilespmem:$0x1FF30]  }
0x22a: {  	v61 =	vadd.f32 v23, v61;
	v23 =	vadd.f32 v19, v46;
	v19 =	vld [tilespmem:$0x1F230]  }
0x22b: {  	v63 =	vld [tilespmem:s2+$0x4B0]  }
0x22c: {  	v48 =	vld [tilespmem:s2+$0x480];
	v12 =	vmul.f32 v57, v6  }
0x22d: {  	v21 =	vmul.f32 v53, v6;
	v53 =	vld [tilespmem:$0x1F210]  }
0x22e: {  	v36 =	vadd.f32 v12, v36;
	v12 =	vmul.f32 v17, v18;
	v17 =	vld [tilespmem:$0x1F220]  }
0x22f: {  	v5 =	vld [tilespmem:s2+$0x4F0];
	v60 =	vmul.f32 v60, v18  }
0x230: {  	v57 =	vld [tilespmem:s2+$0x4E0];
	v47 =	vmul.f32 v47, v18  }
0x231: {  	v0 =	vadd.f32 v60, v0;
	v60 =	vmul.f32 v11, v18;
	v11 =	vmul.f32 v14, v18;
	v14 =	vld [tilespmem:s5+$0x4B0]  }
0x232: {  	v39 =	vmul.f32 v39, v18;
	v31 =	vadd.f32 v47, v31;
	v47 =	vmul.f32 v15, v18;
	v15 =	vld [tilespmem:s5+$0x4C0]  }
0x233: {  	v41 =	vadd.f32 v12, v41;
	v12 =	vld [tilespmem:$0x1F240];
	v7 =	vmul.f32 v53, v6;
	v53 =	vmul.f32 v17, v18  }
0x234: {  	v29 =	vadd.f32 v39, v29;
	v39 =	vmul.f32 v16, v18;
	v16 =	vld [tilespmem:s5+$0x4D0]  }
0x235: {  	v45 =	vadd.f32 v53, v45;
	v53 =	vld [tilespmem:$0x1F250]  }
0x236: {  	v38 =	vadd.f32 v21, v38;
	v21 =	vld [tilespmem:s6+$0x480]  }
0x237: {  	v6 =	vmul.f32 v19, v18;
	v19 =	vld [tilespmem:s6+$0x4A0]  }
0x238: {  	v52 =	vadd.f32 v7, v52;
	v17 =	vmul.f32 v12, v18;
	v7 =	vld [tilespmem:s6+$0x4B0]  }
0x239: {  	v12 =	vmul.f32 v56, v18;
	v56 =	vmul.f32 v10, v18;
	v10 =	vld [tilespmem:$0x1F260]  }
0x23a: {  	v46 =	vadd.f32 v17, v54;
	v54 =	vld [tilespmem:s6+$0x4D0];
	v4 =	vmul.f32 v53, v18  }
0x23b: {  	v6 =	vadd.f32 v6, v33;
	v17 =	vmul.f32 v58, v18;
	v58 =	vld [tilespmem:s6+$0x4E0]  }
0x23c: {  	v33 =	vadd.f32 v4, v55;
	v4 =	vadd.f32 v12, v1;
	v1 =	vld [tilespmem:$0x1FF40]  }
0x23d: {  	v49 =	vmul.f32 v49, v18;
	v12 =	vld [tilespmem:$0x1F270]  }
0x23e: {  	v53 =	vld [tilespmem:s6+$0x4C0]  }
0x23f: {  	v27 =	vadd.f32 v49, v27;
	v49 =	vmul.f32 v9, v18;
	v9 =	vmul.f32 v10, v18;
	v10 =	vld [tilespmem:s5+$0x480]  }
0x240: {  	v55 =	vmul.f32 v8, v18;
	v8 =	vld [tilespmem:s6+$0x4F0]  }
0x241: {  	v9 =	vadd.f32 v9, v28;
	v28 =	vmul.f32 v13, v18;
	v13 =	vld [tilespmem:s5+$0x4A0];
	v48 =	vmul.f32 v48, v1  }
0x242: {  	v20 =	vadd.f32 v17, v20;
	v17 =	vmul.f32 v12, v18;
	v12 =	vld [tilespmem:s5+$0x490]  }
0x243: {  	v63 =	vmul.f32 v63, v1;
	v41 =	vadd.f32 v48, v41;
	v48 =	vmul.f32 v51, v18;
	v51 =	vld [tilespmem:s5+$0x4E0]  }
0x244: {  	v35 =	vmul.f32 v35, v1;
	v2 =	vmul.f32 v2, v1;
	v3 =	vadd.f32 v17, v3;
	v17 =	vld [tilespmem:s5+$0x4F0]  }
0x245: {  	v5 =	vmul.f32 v5, v1;
	v46 =	vadd.f32 v63, v46;
	v63 =	vmul.f32 v62, v1;
	[tilespmem:s29+$0x12100] =	vst v41;
	v41 =	vld [tilespmem:$0x1F290]  }
0x246: {  	v21 =	vmul.f32 v21, v1;
	v32 =	vmul.f32 v32, v1;
	v35 =	vadd.f32 v35, v45;
	v45 =	vld [tilespmem:$0x1F280]  }
0x247: {  	v2 =	vadd.f32 v2, v6;
	v62 =	vmul.f32 v57, v1;
	v33 =	vadd.f32 v63, v33;
	v63 =	vld [tilespmem:$0x1F2C0]  }
0x248: {  	v7 =	vmul.f32 v7, v1;
	v5 =	vadd.f32 v5, v20;
	v9 =	vadd.f32 v32, v9;
	v57 =	vld [tilespmem:$0x1F2E0];
	[tilespmem:s29+$0x12110] =	vst v35  }
0x249: {  	v32 =	vmul.f32 v8, v1;
	v4 =	vadd.f32 v62, v4;
	[tilespmem:s29+$0x12150] =	vst v33;
	v33 =	vmul.f32 v34, v18  }
0x24a: {  	v0 =	vadd.f32 v21, v0;
	[tilespmem:s29+$0x12130] =	vst v46;
	v6 =	vmul.f32 v41, v18;
	v41 =	vmul.f32 v59, v1  }
0x24b: {  	v62 =	vadd.f32 v48, v30;
	[tilespmem:s29+$0x12160] =	vst v4;
	v4 =	vmul.f32 v50, v18;
	v45 =	vmul.f32 v45, v18;
	v59 =	vld [tilespmem:$0x1F2A0]  }
0x24c: {  	[tilespmem:s29+$0x12170] =	vst v5;
	v46 =	vmul.f32 v63, v18;
	v63 =	vmul.f32 v54, v1;
	v27 =	vadd.f32 v41, v27;
	v41 =	vld [tilespmem:$0x1F2B0]  }
0x24d: {  	v7 =	vadd.f32 v7, v31;
	[tilespmem:s26+$0x12100] =	vst v0;
	v5 =	vmul.f32 v57, v18;
	v54 =	vmul.f32 v16, v1  }
0x24e: {  	v0 =	vadd.f32 v63, v62;
	v62 =	vmul.f32 v17, v1;
	[tilespmem:s29+$0x12140] =	vst v27;
	v27 =	vmul.f32 v44, v18  }
0x24f: {  	[tilespmem:s29+$0x12120] =	vst v2;
	v31 =	vadd.f32 v6, v61;
	v44 =	vmul.f32 v19, v1;
	v19 =	vmul.f32 v58, v1  }
0x250: {  	[tilespmem:s26+$0x12110] =	vst v9;
	v16 =	vld [tilespmem:$0x1F340];
	v61 =	vadd.f32 v4, v52;
	v35 =	vmul.f32 v59, v18;
	v59 =	vmul.f32 v53, v1  }
0x251: {  	[tilespmem:s26+$0x12130] =	vst v7;
	v53 =	vadd.f32 v33, v22;
	v3 =	vadd.f32 v44, v3;
	v2 =	vmul.f32 v41, v18;
	v41 =	vld [tilespmem:$0x1F2D0]  }
0x252: {  	v17 =	vld [tilespmem:$0x1F350];
	[tilespmem:s26+$0x12150] =	vst v0;
	v44 =	vmul.f32 v13, v1;
	v21 =	vadd.f32 v59, v29;
	v34 =	vadd.f32 v35, v43  }
0x253: {  	v43 =	vadd.f32 v46, v25;
	v46 =	vmul.f32 v14, v1;
	v63 =	vadd.f32 v54, v53;
	v14 =	vld [tilespmem:$0x1F330];
	[tilespmem:s26+$0x12120] =	vst v3  }
0x254: {  	v58 =	vadd.f32 v5, v23;
	v13 =	vld [tilespmem:$0x1F320];
	v35 =	vmul.f32 v10, v1;
	v3 =	vadd.f32 v32, v31;
	[tilespmem:s26+$0x12140] =	vst v21  }
0x255: {  	v50 =	vmul.f32 v15, v1;
	v25 =	vld [tilespmem:$0x1F3B0];
	v2 =	vadd.f32 v2, v37;
	v0 =	vadd.f32 v44, v43;
	[tilespmem:s3+$0x12150] =	vst v63  }
0x256: {  	v10 =	vld [tilespmem:$0x1F300];
	v7 =	vadd.f32 v35, v34;
	[tilespmem:s26+$0x12170] =	vst v3;
	v20 =	vmul.f32 v41, v18;
	v18 =	vadd.f32 v45, v24  }
0x257: {  	v21 =	vld [tilespmem:$0x1F380];
	[tilespmem:s3+$0x12120] =	vst v0;
	v0 =	vadd.f32 v62, v61;
	v41 =	vmul.f32 v12, v1;
	v45 =	vadd.f32 v27, v38  }
0x258: {  	v4 =	vmul.f32 v16, v1;
	[tilespmem:s3+$0x12100] =	vst v7;
	v12 =	vld [tilespmem:$0x1F310];
	v15 =	vadd.f32 v56, v14;
	v9 =	vadd.f32 v19, v18  }
0x259: {  	v22 =	vmul.f32 v26, v1;
	[tilespmem:s3+$0x12170] =	vst v0;
	v2 =	vadd.f32 v41, v2;
	v48 =	vadd.f32 v20, v36;
	v19 =	vld [tilespmem:$0x1F360]  }
0x25a: {  	v59 =	vmul.f32 v51, v1;
	v26 =	vadd.f32 v39, v25;
	v57 =	vadd.f32 v46, v45;
	v20 =	vld [tilespmem:$0x1F370];
	[tilespmem:s26+$0x12160] =	vst v9  }
0x25b: {  	v8 =	vadd.f32 v4, v15;
	[tilespmem:s3+$0x12110] =	vst v2;
	v3 =	vadd.f32 v50, v48;
	v9 =	vld [tilespmem:$0x1F2F0]  }
0x25c: {  	v23 =	vld [tilespmem:$0x1F390];
	v27 =	vmul.f32 v42, v1;
	v4 =	vadd.f32 v11, v21;
	[tilespmem:s3+$0x12130] =	vst v57;
	v2 =	vadd.f32 v59, v58  }
0x25d: {  	v5 =	vmul.f32 v13, v1;
	v24 =	vld [tilespmem:$0x1F3A0];
	[tilespmem:s3+$0x12140] =	vst v3;
	v3 =	vadd.f32 v49, v12  }
0x25e: {  	v7 =	vmul.f32 v10, v1;
	v29 =	vadd.f32 v27, v26;
	v4 =	vadd.f32 v22, v4;
	[tilespmem:s3+$0x12160] =	vst v2  }
0x25f: {  	v18 =	vmul.f32 v40, v1;
	[tilespmem:s0+$0x12120] =	vst v8;
	v2 =	vadd.f32 v60, v17;
	v49 =	vld [tilespmem:s0+$0x10180];
	v3 =	vadd.f32 v5, v3  }
0x260: {  	[tilespmem:s0+$0x12170] =	vst v29;
	v0 =	vadd.f32 v28, v19;
	v46 =	vld [tilespmem:s0+$0x10190];
	v5 =	vmul.f32 v20, v1;
	v6 =	vadd.f32 v55, v9  }
0x261: {  	v43 =	vld [tilespmem:s0+$0x101A0];
	v2 =	vadd.f32 v18, v2;
	[tilespmem:s0+$0x12110] =	vst v3;
	v3 =	vadd.f32 v47, v23  }
0x262: {  	[tilespmem:s0+$0x12150] =	vst v4;
	v40 =	vld [tilespmem:s0+$0x101B0];
	v0 =	vadd.f32 v5, v0;
	v6 =	vadd.f32 v7, v6;
	v7 =	vmul.f32 v24, v1  }
0x263: {  	v44 =	vld [tilespmem:s0+$0x101C0];
	[tilespmem:s0+$0x12130] =	vst v2  }
0x264: {  	v36 =	vld [tilespmem:s0+$0x101D0];
	[tilespmem:s0+$0x12140] =	vst v0;
	v28 =	vadd.f32 v7, v3  }
0x265: {  	v41 =	vld [tilespmem:s0+$0x101E0];
	[tilespmem:s0+$0x12100] =	vst v6  }
0x266: {  	v37 =	vld [tilespmem:s0+$0x101F0];
	[tilespmem:s0+$0x12160] =	vst v28  }
0x267: {  	v42 =	vld [tilespmem:s29+$0x10180]  }
0x268: {  	v47 =	vld [tilespmem:s29+$0x10190]  }
0x269: {  	v50 =	vld [tilespmem:s29+$0x101A0]  }
0x26a: {  	v51 =	vld [tilespmem:s29+$0x101B0]  }
0x26b: {  	v54 =	vld [tilespmem:s29+$0x101C0]  }
0x26c: {  	v55 =	vld [tilespmem:s29+$0x101D0]  }
0x26d: {  	v58 =	vld [tilespmem:s29+$0x101E0]  }
0x26e: {  	v60 =	vld [tilespmem:s29+$0x101F0]  }
0x26f: {  	v59 =	vld [tilespmem:s26+$0x10180]  }
0x270: {  	v62 =	vld [tilespmem:s26+$0x10190]  }
0x271: {  	v0 =	vld [tilespmem:s26+$0x101A0]  }
0x272: {  	v30 =	vld [tilespmem:s26+$0x101B0]  }
0x273: {  	v31 =	vld [tilespmem:s26+$0x101C0]  }
0x274: {  	v32 =	vld [tilespmem:s26+$0x101D0]  }
0x275: {  	v33 =	vld [tilespmem:s26+$0x101E0]  }
0x276: {  	v34 =	vld [tilespmem:s26+$0x101F0]  }
0x277: {  	v35 =	vld [tilespmem:s3+$0x10180]  }
0x278: {  	v38 =	vld [tilespmem:s3+$0x10190]  }
0x279: {  	v39 =	vld [tilespmem:s3+$0x101A0]  }
0x27a: {  	v45 =	vld [tilespmem:s3+$0x101B0]  }
0x27b: {  	v48 =	vld [tilespmem:s3+$0x101C0]  }
0x27c: {  	v52 =	vld [tilespmem:s3+$0x101D0]  }
0x27d: {  	v53 =	vld [tilespmem:s3+$0x101E0]  }
0x27e: {  	v56 =	vld [tilespmem:s3+$0x101F0]  }
0x27f: {  	v4 =	vld [tilespmem:s7+$0x8100]  }
0x280: {  	v5 =	vld [tilespmem:s7+$0x8110]  }
0x281: {  	v6 =	vld [tilespmem:s7+$0x8120]  }
0x282: {  	v7 =	vld [tilespmem:s7+$0x8130]  }
0x283: {  	v8 =	vld [tilespmem:s7+$0x8140]  }
0x284: {  	v9 =	vld [tilespmem:s7+$0x8150]  }
0x285: {  	v10 =	vld [tilespmem:s7+$0x8160]  }
0x286: {  	v11 =	vld [tilespmem:s7+$0x8170]  }
0x287: {  	v12 =	vld [tilespmem:s2+$0x8100]  }
0x288: {  	v13 =	vld [tilespmem:s2+$0x8110]  }
0x289: {  	v1 =	vld [tilespmem:s2+$0x8130]  }
0x28a: {  	v2 =	vld [tilespmem:s2+$0x8140]  }
0x28b: {  	v19 =	vld [tilespmem:s2+$0x8150]  }
0x28c: {  	v20 =	vld [tilespmem:s2+$0x8160]  }
0x28d: {  	v21 =	vld [tilespmem:s2+$0x8170]  }
0x28e: {  	v22 =	vld [tilespmem:s6+$0x8100]  }
0x28f: {  	v23 =	vld [tilespmem:s6+$0x8110]  }
0x290: {  	v24 =	vld [tilespmem:s6+$0x8120]  }
0x291: {  	v25 =	vld [tilespmem:s6+$0x8130]  }
0x292: {  	v26 =	vld [tilespmem:s6+$0x8140]  }
0x293: {  	v27 =	vld [tilespmem:s6+$0x8150]  }
0x294: {  	v28 =	vld [tilespmem:s6+$0x8160]  }
0x295: {  	v29 =	vld [tilespmem:s6+$0x8170]  }
0x296: {  	v63 =	vld [tilespmem:s7+$0x81B0]  }
0x297: {  	v57 =	vld [tilespmem:s2+$0x8180]  }
0x298: {  	v16 =	vld [tilespmem:s2+$0x8190]  }
0x299: {  	v17 =	vld [tilespmem:s2+$0x81A0];
	[tilespmem:$0x1F3C0] =	vst v0  }
0x29a: {  	v18 =	vld [tilespmem:s2+$0x81B0];
	[tilespmem:$0x1F3D0] =	vst v30  }
0x29b: {  	v3 =	vld [tilespmem:s7+$0x81E0];
	[tilespmem:$0x1F3E0] =	vst v31  }
0x29c: {  	[tilespmem:$0x1F4A0] =	vst v57;
	v57 =	vld [tilespmem:s2+$0x81C0]  }
0x29d: {  	[tilespmem:$0x1F4B0] =	vst v16;
	v16 =	vld [tilespmem:s2+$0x81D0]  }
0x29e: {  	[tilespmem:$0x1F4C0] =	vst v17;
	v17 =	vld [tilespmem:s2+$0x81E0]  }
0x29f: {  	[tilespmem:$0x1F4D0] =	vst v18;
	v18 =	vld [tilespmem:s2+$0x81F0]  }
0x2a0: {  	v61 =	vld [tilespmem:s7+$0x81F0];
	[tilespmem:$0x1F3F0] =	vst v32  }
0x2a1: {  	[tilespmem:$0x1F4E0] =	vst v57;
	v57 =	vld [tilespmem:s6+$0x8180]  }
0x2a2: {  	[tilespmem:$0x1F4F0] =	vst v16;
	v16 =	vld [tilespmem:s6+$0x8190]  }
0x2a3: {  	[tilespmem:$0x1F500] =	vst v17;
	v17 =	vld [tilespmem:s6+$0x81A0]  }
0x2a4: {  	[tilespmem:$0x1F510] =	vst v18;
	v18 =	vld [tilespmem:s6+$0x81B0]  }
0x2a5: {  	[tilespmem:$0x1F400] =	vst v33;
	v0 =	vld [tilespmem:s2+$0x8120]  }
0x2a6: {  	[tilespmem:$0x1F520] =	vst v57;
	v57 =	vld [tilespmem:s6+$0x81C0]  }
0x2a7: {  	[tilespmem:$0x1F530] =	vst v16;
	v16 =	vld [tilespmem:s6+$0x81D0]  }
0x2a8: {  	[tilespmem:$0x1F540] =	vst v17;
	v17 =	vld [tilespmem:s6+$0x81E0]  }
0x2a9: {  	[tilespmem:$0x1F550] =	vst v18;
	v18 =	vld [tilespmem:s6+$0x81F0]  }
0x2aa: {  	[tilespmem:$0x1F410] =	vst v34;
	v30 =	vld [tilespmem:s5+$0x8100]  }
0x2ab: {  	[tilespmem:$0x1F560] =	vst v57;
	v57 =	vld [tilespmem:s5+$0x8180]  }
0x2ac: {  	[tilespmem:$0x1F570] =	vst v16;
	v16 =	vld [tilespmem:s5+$0x8190]  }
0x2ad: {  	[tilespmem:$0x1F580] =	vst v17;
	v17 =	vld [tilespmem:s5+$0x81A0]  }
0x2ae: {  	[tilespmem:$0x1F590] =	vst v18;
	v18 =	vld [tilespmem:s5+$0x81B0]  }
0x2af: {  	[tilespmem:$0x1F420] =	vst v35;
	v31 =	vld [tilespmem:s5+$0x8110]  }
0x2b0: {  	[tilespmem:$0x1F5A0] =	vst v57;
	v57 =	vld [tilespmem:s5+$0x81C0]  }
0x2b1: {  	[tilespmem:$0x1F5B0] =	vst v16;
	v16 =	vld [tilespmem:s5+$0x81D0]  }
0x2b2: {  	[tilespmem:$0x1F5C0] =	vst v17;
	v17 =	vld [tilespmem:s5+$0x81E0]  }
0x2b3: {  	[tilespmem:$0x1F5D0] =	vst v18;
	v18 =	vld [tilespmem:s5+$0x81F0]  }
0x2b4: {  	[tilespmem:$0x1F430] =	vst v38;
	v32 =	vld [tilespmem:s5+$0x8120]  }
0x2b5: {  	[tilespmem:$0x1F5E0] =	vst v57;
	v57 =	vld [tilespmem:s7+$0x8200]  }
0x2b6: {  	[tilespmem:$0x1F5F0] =	vst v16;
	v16 =	vld [tilespmem:s7+$0x8210]  }
0x2b7: {  	[tilespmem:$0x1F600] =	vst v17;
	v17 =	vld [tilespmem:s7+$0x8220]  }
0x2b8: {  	[tilespmem:$0x1F610] =	vst v18;
	v18 =	vld [tilespmem:s7+$0x8230]  }
0x2b9: {  	[tilespmem:$0x1F440] =	vst v39;
	v33 =	vld [tilespmem:s5+$0x8130]  }
0x2ba: {  	[tilespmem:$0x1F620] =	vst v57;
	v57 =	vld [tilespmem:s7+$0x8240]  }
0x2bb: {  	[tilespmem:$0x1F630] =	vst v16;
	v16 =	vld [tilespmem:s7+$0x8250]  }
0x2bc: {  	[tilespmem:$0x1F640] =	vst v17;
	v17 =	vld [tilespmem:s7+$0x8260]  }
0x2bd: {  	[tilespmem:$0x1F650] =	vst v18;
	v18 =	vld [tilespmem:s7+$0x8270]  }
0x2be: {  	[tilespmem:$0x1F450] =	vst v45;
	v34 =	vld [tilespmem:s5+$0x8140]  }
0x2bf: {  	[tilespmem:$0x1F660] =	vst v57;
	v57 =	vld [tilespmem:s2+$0x8200]  }
0x2c0: {  	[tilespmem:$0x1F670] =	vst v16;
	v16 =	vld [tilespmem:s2+$0x8210]  }
0x2c1: {  	[tilespmem:$0x1F680] =	vst v17;
	v17 =	vld [tilespmem:s2+$0x8220]  }
0x2c2: {  	[tilespmem:$0x1F690] =	vst v18;
	v18 =	vld [tilespmem:s2+$0x8230]  }
0x2c3: {  	[tilespmem:$0x1F460] =	vst v48;
	v35 =	vld [tilespmem:s5+$0x8150]  }
0x2c4: {  	[tilespmem:$0x1F6A0] =	vst v57;
	v57 =	vld [tilespmem:s2+$0x8240]  }
0x2c5: {  	[tilespmem:$0x1F6B0] =	vst v16;
	v16 =	vld [tilespmem:s2+$0x8250]  }
0x2c6: {  	[tilespmem:$0x1F6C0] =	vst v17;
	v17 =	vld [tilespmem:s2+$0x8260]  }
0x2c7: {  	[tilespmem:$0x1F6D0] =	vst v18;
	v18 =	vld [tilespmem:s2+$0x8270]  }
0x2c8: {  	[tilespmem:$0x1F470] =	vst v52;
	v38 =	vld [tilespmem:s5+$0x8160]  }
0x2c9: {  	[tilespmem:$0x1F6E0] =	vst v57;
	v57 =	vld [tilespmem:s6+$0x8200]  }
0x2ca: {  	[tilespmem:$0x1F6F0] =	vst v16;
	v16 =	vld [tilespmem:s6+$0x8210]  }
0x2cb: {  	[tilespmem:$0x1F700] =	vst v17;
	v17 =	vld [tilespmem:s6+$0x8220]  }
0x2cc: {  	[tilespmem:$0x1F710] =	vst v18;
	v18 =	vld [tilespmem:s6+$0x8230]  }
0x2cd: {  	[tilespmem:$0x1F480] =	vst v53;
	v39 =	vld [tilespmem:s5+$0x8170]  }
0x2ce: {  	[tilespmem:$0x1F720] =	vst v57;
	v57 =	vld [tilespmem:s6+$0x8240]  }
0x2cf: {  	[tilespmem:$0x1F730] =	vst v16;
	v16 =	vld [tilespmem:s6+$0x8250]  }
0x2d0: {  	[tilespmem:$0x1F740] =	vst v17;
	v17 =	vld [tilespmem:s6+$0x8260]  }
0x2d1: {  	[tilespmem:$0x1F750] =	vst v18;
	v18 =	vld [tilespmem:s6+$0x8270]  }
0x2d2: {  	[tilespmem:$0x1F490] =	vst v56;
	v45 =	vld [tilespmem:s7+$0x8180]  }
0x2d3: {  	v48 =	vld [tilespmem:s7+$0x8190];
	[tilespmem:$0x1F760] =	vst v57  }
0x2d4: {  	v52 =	vld [tilespmem:s7+$0x81A0];
	[tilespmem:$0x1F770] =	vst v16  }
0x2d5: {  	v56 =	vld [tilespmem:s7+$0x81C0];
	[tilespmem:$0x1F780] =	vst v17  }
0x2d6: {  	v53 =	vld [tilespmem:s7+$0x81D0];
	[tilespmem:$0x1F790] =	vst v18  }
0x2d7: {  	v14 =	vld [tilespmem:s5+$0x8200]  }
0x2d8: {  	v18 =	vld [tilespmem:s5+$0x8240]  }
0x2d9: {  	v16 =	vld [tilespmem:s5+$0x8220]  }
0x2da: {  	v17 =	vld [tilespmem:s5+$0x8230];
	_ =	sdelay $0x2  }
0x2db: {  	[tilespmem:$0x1F7E0] =	vst v18;
	v18 =	vld [tilespmem:s7+$0x8290]  }
0x2dc: {  	[tilespmem:$0x1F7C0] =	vst v16;
	v16 =	vld [tilespmem:s5+$0x8260]  }
0x2dd: {  	[tilespmem:$0x1F7D0] =	vst v17;
	v17 =	vld [tilespmem:s5+$0x8270];
	_ =	sdelay $0x2  }
0x2de: {  	[tilespmem:$0x1F820] =	vst v18;
	v18 =	vld [tilespmem:s7+$0x82C0]  }
0x2df: {  	[tilespmem:$0x1F800] =	vst v16;
	v16 =	vld [tilespmem:s7+$0x82A0]  }
0x2e0: {  	[tilespmem:$0x1F810] =	vst v17;
	v17 =	vld [tilespmem:s7+$0x82B0];
	_ =	sdelay $0x2  }
0x2e1: {  	[tilespmem:$0x1F850] =	vst v18;
	v18 =	vld [tilespmem:s7+$0x82F0]  }
0x2e2: {  	[tilespmem:$0x1F830] =	vst v16;
	v16 =	vld [tilespmem:s7+$0x82D0]  }
0x2e3: {  	[tilespmem:$0x1F840] =	vst v17;
	v17 =	vld [tilespmem:s7+$0x82E0];
	_ =	sdelay $0x2  }
0x2e4: {  	[tilespmem:$0x1F880] =	vst v18;
	v18 =	vld [tilespmem:s2+$0x82A0]  }
0x2e5: {  	[tilespmem:$0x1F860] =	vst v16;
	v16 =	vld [tilespmem:s2+$0x8280]  }
0x2e6: {  	[tilespmem:$0x1F870] =	vst v17;
	v17 =	vld [tilespmem:s2+$0x8290];
	_ =	sdelay $0x2  }
0x2e7: {  	[tilespmem:$0x1F8B0] =	vst v18;
	v18 =	vld [tilespmem:s2+$0x82D0]  }
0x2e8: {  	[tilespmem:$0x1F890] =	vst v16;
	v16 =	vld [tilespmem:s2+$0x82B0]  }
0x2e9: {  	[tilespmem:$0x1F8A0] =	vst v17;
	v17 =	vld [tilespmem:s2+$0x82C0];
	_ =	sdelay $0x1  }
0x2ea: {  	v57 =	vld [tilespmem:s5+$0x8210]  }
0x2eb: {  	[tilespmem:$0x1F8E0] =	vst v18;
	v18 =	vld [tilespmem:s6+$0x8280]  }
0x2ec: {  	[tilespmem:$0x1F8C0] =	vst v16;
	v16 =	vld [tilespmem:s2+$0x82E0]  }
0x2ed: {  	[tilespmem:$0x1F8D0] =	vst v17;
	v17 =	vld [tilespmem:s2+$0x82F0];
	_ =	sdelay $0x1  }
0x2ee: {  	[tilespmem:$0x1F7B0] =	vst v57;
	v57 =	vld [tilespmem:s5+$0x8250]  }
0x2ef: {  	[tilespmem:$0x1F910] =	vst v18;
	v18 =	vld [tilespmem:$0x1FF50]  }
0x2f0: {  	[tilespmem:$0x1F8F0] =	vst v16;
	v16 =	vld [tilespmem:s6+$0x8290]  }
0x2f1: {  	[tilespmem:$0x1F900] =	vst v17;
	v17 =	vld [tilespmem:s6+$0x82A0];
	_ =	sdelay $0x2  }
0x2f2: {  	[tilespmem:$0x1F7F0] =	vst v57;
	v57 =	vld [tilespmem:s7+$0x8280]  }
0x2f3: {  	v5 =	vmul.f32 v5, v18;
	[tilespmem:$0x1F920] =	vst v16;
	v16 =	vld [tilespmem:s6+$0x82C0]  }
0x2f4: {  	[tilespmem:$0x1F930] =	vst v17;
	v8 =	vmul.f32 v8, v18;
	v17 =	vld [tilespmem:s6+$0x82D0]  }
0x2f5: {  	v11 =	vmul.f32 v11, v18;
	v5 =	vadd.f32 v5, v46;
	v46 =	vld [tilespmem:s6+$0x82B0]  }
0x2f6: {  	v12 =	vmul.f32 v12, v18;
	v8 =	vadd.f32 v8, v44;
	v44 =	vld [tilespmem:s6+$0x82E0]  }
0x2f7: {  	v7 =	vmul.f32 v7, v18;
	v13 =	vmul.f32 v13, v18;
	v11 =	vadd.f32 v11, v37;
	v37 =	vld [tilespmem:s6+$0x82F0]  }
0x2f8: {  	v10 =	vmul.f32 v10, v18;
	v0 =	vmul.f32 v0, v18;
	v12 =	vadd.f32 v12, v42;
	v42 =	vld [tilespmem:s5+$0x8280]  }
0x2f9: {  	v1 =	vmul.f32 v1, v18;
	v2 =	vmul.f32 v2, v18;
	v13 =	vadd.f32 v13, v47;
	v47 =	vld [tilespmem:s5+$0x8290]  }
0x2fa: {  	v7 =	vadd.f32 v7, v40;
	v40 =	vmul.f32 v19, v18;
	v0 =	vadd.f32 v0, v50;
	v50 =	vld [tilespmem:s5+$0x82A0]  }
0x2fb: {  	v10 =	vadd.f32 v10, v41;
	v41 =	vmul.f32 v20, v18;
	v2 =	vadd.f32 v2, v54;
	v54 =	vld [tilespmem:s5+$0x82B0]  }
0x2fc: {  	[tilespmem:$0x1F7A0] =	vst v14;
	v4 =	vmul.f32 v4, v18;
	v14 =	vadd.f32 v40, v55;
	v55 =	vld [tilespmem:s5+$0x82C0]  }
0x2fd: {  	v1 =	vadd.f32 v1, v51;
	v51 =	vmul.f32 v23, v18;
	v15 =	vadd.f32 v41, v58;
	v58 =	vld [tilespmem:s5+$0x82D0]  }
0x2fe: {  	v6 =	vmul.f32 v6, v18;
	v40 =	vld [tilespmem:$0x1F3D0]  }
0x2ff: {  	v4 =	vadd.f32 v4, v49;
	v49 =	vmul.f32 v22, v18;
	v19 =	vadd.f32 v51, v62;
	v62 =	vld [tilespmem:s7+$0x8300]  }
0x300: {  	v6 =	vadd.f32 v6, v43;
	v43 =	vmul.f32 v21, v18;
	v51 =	vmul.f32 v29, v18;
	v29 =	vld [tilespmem:$0x1F3F0]  }
0x301: {  	[tilespmem:$0x1F950] =	vst v17;
	v17 =	vadd.f32 v49, v59;
	v59 =	vld [tilespmem:s5+$0x82E0]  }
0x302: {  	v25 =	vmul.f32 v25, v18;
	[tilespmem:$0x1F940] =	vst v16;
	v16 =	vadd.f32 v43, v60;
	v43 =	vld [tilespmem:$0x1F3E0]  }
0x303: {  	v9 =	vmul.f32 v9, v18;
	v41 =	vmul.f32 v27, v18;
	[tilespmem:$0x1F960] =	vst v37;
	v37 =	vld [tilespmem:$0x1F3C0]  }
0x304: {  	v21 =	vadd.f32 v25, v40;
	v40 =	vld [tilespmem:$0x1F400]  }
0x305: {  	v9 =	vadd.f32 v9, v36;
	v36 =	vmul.f32 v26, v18;
	v23 =	vadd.f32 v41, v29;
	v41 =	vld [tilespmem:$0x1F410]  }
0x306: {  	v24 =	vmul.f32 v24, v18;
	v60 =	vld [tilespmem:s5+$0x82F0]  }
0x307: {  	v49 =	vmul.f32 v28, v18;
	v22 =	vadd.f32 v36, v43;
	v43 =	vmul.f32 v32, v18;
	v32 =	vld [tilespmem:$0x1F430]  }
0x308: {  	v20 =	vadd.f32 v24, v37;
	v37 =	vld [tilespmem:s7+$0x8310]  }
0x309: {  	v24 =	vadd.f32 v49, v40;
	v40 =	vld [tilespmem:$0x1F440]  }
0x30a: {  	v25 =	vadd.f32 v51, v41;
	v51 =	vld [tilespmem:$0x1F420]  }
0x30b: {  	v49 =	vld [tilespmem:s7+$0x8320]  }
0x30c: {  	v41 =	vld [tilespmem:s7+$0x8340]  }
0x30d: {  	v26 =	vmul.f32 v30, v18;
	[tilespmem:$0x1F970] =	vst v37;
	v37 =	vld [tilespmem:s7+$0x8330]  }
0x30e: {  	v30 =	vmul.f32 v34, v18;
	v36 =	vmul.f32 v31, v18;
	v28 =	vadd.f32 v43, v40;
	v43 =	vld [tilespmem:$0x1F450]  }
0x30f: {  	v31 =	vmul.f32 v35, v18;
	v26 =	vadd.f32 v26, v51;
	v51 =	vmul.f32 v39, v18;
	v39 =	vld [tilespmem:s7+$0x8350]  }
0x310: {  	v27 =	vadd.f32 v36, v32;
	v36 =	vmul.f32 v33, v18;
	[tilespmem:$0x1F980] =	vst v49;
	v49 =	vmul.f32 v38, v18;
	v18 =	vld [tilespmem:$0x1FF60]  }
0x311: {  	v40 =	vld [tilespmem:$0x1F480]  }
0x312: {  	[tilespmem:$0x1F9A0] =	vst v41;
	v41 =	vld [tilespmem:$0x1F490]  }
0x313: {  	[tilespmem:$0x1F990] =	vst v37;
	v37 =	vld [tilespmem:$0x1F470]  }
0x314: {  	v29 =	vadd.f32 v36, v43;
	v36 =	vld [tilespmem:$0x1F460]  }
0x315: {  	v38 =	vmul.f32 v45, v18;
	v45 =	vld [tilespmem:s7+$0x8360]  }
0x316: {  	v43 =	vmul.f32 v48, v18;
	v48 =	vld [tilespmem:s7+$0x8370]  }
0x317: {  	v32 =	vadd.f32 v49, v40;
	v33 =	vadd.f32 v51, v41;
	v40 =	vmul.f32 v52, v18;
	v51 =	vld [tilespmem:$0x1F4E0]  }
0x318: {  	v41 =	vmul.f32 v63, v18;
	v4 =	vadd.f32 v38, v4;
	v38 =	vld [tilespmem:$0x1F4B0]  }
0x319: {  	v49 =	vmul.f32 v53, v18;
	v6 =	vadd.f32 v40, v6;
	v40 =	vld [tilespmem:s2+$0x8340]  }
0x31a: {  	v52 =	vmul.f32 v61, v18;
	v7 =	vadd.f32 v41, v7;
	v41 =	vld [tilespmem:$0x1F4C0]  }
0x31b: {  	v9 =	vadd.f32 v49, v9;
	v49 =	vld [tilespmem:s2+$0x8350]  }
0x31c: {  	v5 =	vadd.f32 v43, v5;
	v43 =	vmul.f32 v56, v18;
	v11 =	vadd.f32 v52, v11;
	v52 =	vld [tilespmem:s2+$0x8360]  }
0x31d: {  	v31 =	vadd.f32 v31, v37;
	v37 =	vld [tilespmem:$0x1F4A0]  }
0x31e: {  	v8 =	vadd.f32 v43, v8;
	v43 =	vld [tilespmem:$0x1F4D0]  }
0x31f: {  	v35 =	vmul.f32 v38, v18;
	v38 =	vld [tilespmem:s2+$0x8370]  }
0x320: {  	[tilespmem:$0x1F9B0] =	vst v40;
	v40 =	vld [tilespmem:$0x1F500]  }
0x321: {  	v34 =	vmul.f32 v41, v18;
	v41 =	vld [tilespmem:$0x1F510]  }
0x322: {  	v3 =	vmul.f32 v3, v18;
	[tilespmem:$0x1F9C0] =	vst v49;
	v49 =	vld [tilespmem:$0x1F520]  }
0x323: {  	[tilespmem:$0x1F9D0] =	vst v52;
	v52 =	vld [tilespmem:s6+$0x8310]  }
0x324: {  	v10 =	vadd.f32 v3, v10;
	v3 =	vmul.f32 v37, v18;
	v37 =	vld [tilespmem:$0x1F4F0]  }
0x325: {  	v30 =	vadd.f32 v30, v36;
	v36 =	vmul.f32 v43, v18;
	v43 =	vld [tilespmem:s6+$0x8300]  }
0x326: {  	v12 =	vadd.f32 v3, v12;
	v3 =	vmul.f32 v51, v18;
	v51 =	vld [tilespmem:$0x1F530]  }
0x327: {  	[tilespmem:$0x1F9E0] =	vst v38;
	v38 =	vld [tilespmem:$0x1F540]  }
0x328: {  	v2 =	vadd.f32 v3, v2;
	v3 =	vmul.f32 v40, v18;
	v40 =	vld [tilespmem:s6+$0x8320]  }
0x329: {  	v13 =	vadd.f32 v35, v13;
	v35 =	vmul.f32 v41, v18;
	v41 =	vld [tilespmem:$0x1F550]  }
0x32a: {  	v0 =	vadd.f32 v34, v0;
	[tilespmem:$0x1FA00] =	vst v52;
	v52 =	vld [tilespmem:s6+$0x8340]  }
0x32b: {  	v1 =	vadd.f32 v36, v1;
	v34 =	vmul.f32 v37, v18;
	v36 =	vmul.f32 v51, v18;
	v51 =	vld [tilespmem:$0x1F570]  }
0x32c: {  	[tilespmem:$0x1F9F0] =	vst v43;
	v43 =	vld [tilespmem:s6+$0x8330]  }
0x32d: {  	v14 =	vadd.f32 v34, v14;
	v34 =	vmul.f32 v49, v18;
	[tilespmem:$0x1FA10] =	vst v40;
	v40 =	vld [tilespmem:$0x1F590]  }
0x32e: {  	v49 =	vld [tilespmem:$0x1F560]  }
0x32f: {  	v17 =	vadd.f32 v34, v17;
	v34 =	vmul.f32 v41, v18;
	v41 =	vld [tilespmem:$0x1F5A0]  }
0x330: {  	v16 =	vadd.f32 v35, v16;
	v35 =	vmul.f32 v51, v18;
	v51 =	vld [tilespmem:$0x1F5B0]  }
0x331: {  	v63 =	vld [tilespmem:s2+$0x8300];
	v15 =	vadd.f32 v3, v15;
	v3 =	vmul.f32 v38, v18  }
0x332: {  	v19 =	vadd.f32 v36, v19;
	v36 =	vmul.f32 v40, v18;
	v40 =	vld [tilespmem:$0x1F5D0]  }
0x333: {  	v20 =	vadd.f32 v3, v20;
	v3 =	vmul.f32 v49, v18;
	v49 =	vld [tilespmem:s6+$0x8360]  }
0x334: {  	v37 =	vld [tilespmem:$0x1F5C0];
	[tilespmem:$0x1FA30] =	vst v52  }
0x335: {  	[tilespmem:$0x1FA20] =	vst v43;
	v43 =	vmul.f32 v41, v18;
	v52 =	vmul.f32 v51, v18;
	v51 =	vld [tilespmem:$0x1F5F0]  }
0x336: {  	v38 =	vld [tilespmem:$0x1F580]  }
0x337: {  	v26 =	vadd.f32 v43, v26;
	v43 =	vld [tilespmem:s5+$0x8300];
	v41 =	vmul.f32 v40, v18  }
0x338: {  	[tilespmem:$0x1FA40] =	vst v49;
	v49 =	vld [tilespmem:$0x1F5E0]  }
0x339: {  	v29 =	vadd.f32 v41, v29;
	v41 =	vld [tilespmem:$0x1F600]  }
0x33a: {  	v27 =	vadd.f32 v52, v27;
	v52 =	vmul.f32 v51, v18;
	v51 =	vld [tilespmem:$0x1F610]  }
0x33b: {  	v53 =	vld [tilespmem:s2+$0x8310]  }
0x33c: {  	v61 =	vld [tilespmem:s2+$0x8330];
	v21 =	vadd.f32 v34, v21;
	v34 =	vmul.f32 v38, v18  }
0x33d: {  	v23 =	vadd.f32 v35, v23;
	v35 =	vmul.f32 v37, v18;
	v37 =	vld [tilespmem:$0x1F630]  }
0x33e: {  	v24 =	vadd.f32 v34, v24;
	v25 =	vadd.f32 v36, v25;
	v36 =	vld [tilespmem:s6+$0x8370];
	v34 =	vmul.f32 v49, v18  }
0x33f: {  	[tilespmem:$0x1FA60] =	vst v43;
	v31 =	vadd.f32 v52, v31;
	v43 =	vmul.f32 v41, v18;
	v52 =	vmul.f32 v51, v18;
	v18 =	vld [tilespmem:s5+$0x8330]  }
0x340: {  	v49 =	vld [tilespmem:s5+$0x8320]  }
0x341: {  	v40 =	vld [tilespmem:s5+$0x8310]  }
0x342: {  	v32 =	vadd.f32 v43, v32;
	v43 =	vld [tilespmem:$0x1F640]  }
0x343: {  	v33 =	vadd.f32 v52, v33;
	v52 =	vld [tilespmem:s5+$0x8350]  }
0x344: {  	[tilespmem:$0x1FA90] =	vst v18;
	v18 =	vld [tilespmem:$0x1FF70]  }
0x345: {  	[tilespmem:$0x1FA80] =	vst v49;
	v49 =	vld [tilespmem:$0x1F650]  }
0x346: {  	[tilespmem:$0x1FA50] =	vst v36;
	v36 =	vld [tilespmem:$0x1F620]  }
0x347: {  	v41 =	vld [tilespmem:s5+$0x8340]  }
0x348: {  	[tilespmem:$0x1FAB0] =	vst v52;
	v52 =	vld [tilespmem:s5+$0x8370]  }
0x349: {  	v30 =	vadd.f32 v34, v30;
	v34 =	vmul.f32 v43, v18;
	v43 =	vld [tilespmem:s5+$0x8360]  }
0x34a: {  	[tilespmem:$0x1FA70] =	vst v40;
	v40 =	vmul.f32 v37, v18;
	v51 =	vmul.f32 v49, v18;
	v49 =	vld [tilespmem:$0x1F670]  }
0x34b: {  	v28 =	vadd.f32 v35, v28;
	v35 =	vmul.f32 v36, v18;
	v36 =	vld [tilespmem:$0x1F680]  }
0x34c: {  	v5 =	vadd.f32 v40, v5;
	v40 =	vld [tilespmem:$0x1F660]  }
0x34d: {  	v37 =	vld [tilespmem:$0x1F690]  }
0x34e: {  	[tilespmem:$0x1FAD0] =	vst v52;
	v52 =	vld [tilespmem:s7+$0x8390]  }
0x34f: {  	[tilespmem:$0x1FAC0] =	vst v43;
	v43 =	vld [tilespmem:$0x1F6A0]  }
0x350: {  	v7 =	vadd.f32 v51, v7;
	v51 =	vmul.f32 v49, v18;
	v49 =	vld [tilespmem:$0x1F6B0]  }
0x351: {  	[tilespmem:$0x1FAA0] =	vst v41;
	v4 =	vadd.f32 v35, v4;
	v35 =	vmul.f32 v36, v18;
	v36 =	vld [tilespmem:$0x1F6E0];
	v41 =	vmul.f32 v40, v18  }
0x352: {  	v40 =	vmul.f32 v37, v18;
	v37 =	vld [tilespmem:$0x1F6F0]  }
0x353: {  	v8 =	vadd.f32 v41, v8;
	v41 =	vld [tilespmem:s7+$0x8380]  }
0x354: {  	v11 =	vadd.f32 v40, v11;
	v40 =	vld [tilespmem:$0x1F6C0]  }
0x355: {  	v6 =	vadd.f32 v34, v6;
	v34 =	vmul.f32 v43, v18;
	v43 =	vld [tilespmem:s7+$0x83A0]  }
0x356: {  	v9 =	vadd.f32 v51, v9;
	v51 =	vmul.f32 v49, v18;
	v49 =	vld [tilespmem:$0x1F6D0]  }
0x357: {  	v56 =	vld [tilespmem:s2+$0x8320]  }
0x358: {  	[tilespmem:$0x1FAF0] =	vst v52;
	v52 =	vld [tilespmem:s7+$0x83B0]  }
0x359: {  	v10 =	vadd.f32 v35, v10;
	v35 =	vmul.f32 v36, v18;
	v36 =	vld [tilespmem:$0x1F740];
	[tilespmem:$0x1FAE0] =	vst v41  }
0x35a: {  	v41 =	vmul.f32 v40, v18;
	[tilespmem:$0x1FB00] =	vst v43;
	v43 =	vld [tilespmem:$0x1F700]  }
0x35b: {  	v13 =	vadd.f32 v51, v13;
	v40 =	vmul.f32 v37, v18;
	v51 =	vmul.f32 v49, v18;
	v49 =	vld [tilespmem:$0x1F710]  }
0x35c: {  	v22 =	vadd.f32 v3, v22;
	v3 =	vadd.f32 v41, v0;
	v41 =	vld [tilespmem:s7+$0x83C0]  }
0x35d: {  	v14 =	vadd.f32 v40, v14;
	v40 =	vld [tilespmem:$0x1F720]  }
0x35e: {  	[tilespmem:$0x1FB10] =	vst v52;
	v52 =	vld [tilespmem:s7+$0x83D0]  }
0x35f: {  	v37 =	vld [tilespmem:$0x1F750]  }
0x360: {  	v1 =	vadd.f32 v51, v1;
	v51 =	vmul.f32 v49, v18;
	v49 =	vld [tilespmem:$0x1F730]  }
0x361: {  	v12 =	vadd.f32 v34, v12;
	v34 =	vmul.f32 v43, v18;
	v43 =	vld [tilespmem:s7+$0x83E0]  }
0x362: {  	v2 =	vadd.f32 v35, v2;
	v35 =	vmul.f32 v36, v18;
	v36 =	vld [tilespmem:$0x1F7A0];
	[tilespmem:$0x1FB20] =	vst v41;
	v41 =	vmul.f32 v40, v18  }
0x363: {  	[tilespmem:$0x1FB30] =	vst v52;
	v52 =	vld [tilespmem:s7+$0x83F0]  }
0x364: {  	v17 =	vadd.f32 v41, v17;
	v41 =	vld [tilespmem:s2+$0x8380]  }
0x365: {  	v40 =	vmul.f32 v37, v18;
	v16 =	vadd.f32 v51, v16;
	v51 =	vmul.f32 v49, v18;
	v49 =	vld [tilespmem:$0x1F770]  }
0x366: {  	[tilespmem:$0x1FB40] =	vst v43;
	v43 =	vld [tilespmem:$0x1F760]  }
0x367: {  	v21 =	vadd.f32 v40, v21;
	v40 =	vld [tilespmem:$0x1F780]  }
0x368: {  	[tilespmem:$0x1FB50] =	vst v52;
	v52 =	vld [tilespmem:s2+$0x8390]  }
0x369: {  	v37 =	vld [tilespmem:$0x1F7B0]  }
0x36a: {  	v19 =	vadd.f32 v51, v19;
	v51 =	vmul.f32 v49, v18;
	v49 =	vld [tilespmem:$0x1F790]  }
0x36b: {  	v15 =	vadd.f32 v34, v15;
	v34 =	vmul.f32 v43, v18;
	v43 =	vld [tilespmem:s2+$0x83A0]  }
0x36c: {  	v20 =	vadd.f32 v35, v20;
	v35 =	vmul.f32 v36, v18;
	v36 =	vld [tilespmem:$0x1F810];
	[tilespmem:$0x1FB60] =	vst v41;
	v41 =	vmul.f32 v40, v18  }
0x36d: {  	[tilespmem:$0x1FB70] =	vst v52;
	v52 =	vld [tilespmem:s2+$0x83B0]  }
0x36e: {  	v24 =	vadd.f32 v41, v24;
	v41 =	vld [tilespmem:s2+$0x83C0]  }
0x36f: {  	v40 =	vmul.f32 v37, v18;
	v23 =	vadd.f32 v51, v23;
	v51 =	vmul.f32 v49, v18;
	v49 =	vld [tilespmem:$0x1F7D0]  }
0x370: {  	[tilespmem:$0x1FB80] =	vst v43;
	v43 =	vld [tilespmem:$0x1F7C0]  }
0x371: {  	v27 =	vadd.f32 v40, v27;
	v40 =	vld [tilespmem:$0x1F7E0]  }
0x372: {  	v26 =	vadd.f32 v35, v26;
	v35 =	vld [tilespmem:$0x1F800]  }
0x373: {  	[tilespmem:$0x1FB90] =	vst v52;
	v52 =	vld [tilespmem:s2+$0x83D0]  }
0x374: {  	v25 =	vadd.f32 v51, v25;
	v51 =	vmul.f32 v49, v18;
	v49 =	vld [tilespmem:$0x1F7F0]  }
0x375: {  	v22 =	vadd.f32 v34, v22;
	v34 =	vmul.f32 v43, v18;
	v43 =	vld [tilespmem:s2+$0x83E0]  }
0x376: {  	v38 =	vld [tilespmem:s6+$0x8350];
	[tilespmem:$0x1FBA0] =	vst v41;
	v41 =	vmul.f32 v40, v18  }
0x377: {  	v37 =	vmul.f32 v36, v18;
	v36 =	vld [tilespmem:$0x1F830]  }
0x378: {  	[tilespmem:$0x1FBB0] =	vst v52;
	v52 =	vld [tilespmem:s2+$0x83F0];
	v40 =	vadd.f32 v41, v30  }
0x379: {  	v30 =	vmul.f32 v35, v18;
	v0 =	vadd.f32 v51, v29;
	v51 =	vmul.f32 v49, v18;
	v18 =	vld [tilespmem:$0x1FF80]  }
0x37a: {  	[tilespmem:$0x1FBC0] =	vst v43;
	v43 =	vld [tilespmem:s6+$0x8380]  }
0x37b: {  	v35 =	vld [tilespmem:$0x1F840]  }
0x37c: {  	v28 =	vadd.f32 v34, v28;
	v34 =	vld [tilespmem:$0x1F880]  }
0x37d: {  	v41 =	vadd.f32 v51, v31;
	v51 =	vld [tilespmem:$0x1F820]  }
0x37e: {  	v49 =	vmul.f32 v57, v18;
	v57 =	vld [tilespmem:s6+$0x8390]  }
0x37f: {  	[tilespmem:$0x1FBE0] =	vst v43;
	v43 =	vadd.f32 v37, v33;
	v37 =	vmul.f32 v36, v18;
	v36 =	vld [tilespmem:s6+$0x83B0]  }
0x380: {  	v33 =	vld [tilespmem:s6+$0x83A0]  }
0x381: {  	v31 =	vmul.f32 v35, v18;
	v35 =	vadd.f32 v37, v6;
	v37 =	vld [tilespmem:$0x1F850]  }
0x382: {  	v4 =	vadd.f32 v49, v4;
	v49 =	vld [tilespmem:$0x1F860]  }
0x383: {  	[tilespmem:$0x1FBD0] =	vst v52;
	v29 =	vld [tilespmem:s6+$0x83C0]  }
0x384: {  	[tilespmem:$0x1FC10] =	vst v36;
	v36 =	vmul.f32 v34, v18;
	v34 =	vld [tilespmem:s6+$0x83E0]  }
0x385: {  	v52 =	vmul.f32 v51, v18;
	[tilespmem:$0x1FC00] =	vst v33;
	v33 =	vld [tilespmem:$0x1F870]  }
0x386: {  	[tilespmem:$0x1FBF0] =	vst v57;
	v57 =	vadd.f32 v30, v32;
	v30 =	vmul.f32 v37, v18;
	v37 =	vld [tilespmem:s6+$0x83D0]  }
0x387: {  	v51 =	vadd.f32 v52, v5;
	v52 =	vmul.f32 v49, v18;
	v49 =	vld [tilespmem:$0x1F890]  }
0x388: {  	[tilespmem:$0x1FC20] =	vst v29;
	v29 =	vadd.f32 v31, v7;
	v7 =	vld [tilespmem:$0x1F8F0]  }
0x389: {  	[tilespmem:$0x1FC40] =	vst v34;
	v34 =	vadd.f32 v36, v11;
	v36 =	vld [tilespmem:$0x1F8A0]  }
0x38a: {  	v31 =	vmul.f32 v33, v18;
	v33 =	vld [tilespmem:s5+$0x8380]  }
0x38b: {  	[tilespmem:$0x1FC30] =	vst v37;
	v37 =	vld [tilespmem:s6+$0x83F0]  }
0x38c: {  	v32 =	vld [tilespmem:$0x1F900];
	v9 =	vadd.f32 v52, v9;
	v52 =	vmul.f32 v49, v18  }
0x38d: {  	v49 =	vld [tilespmem:$0x1F8B0]  }
0x38e: {  	v10 =	vadd.f32 v31, v10;
	v31 =	vmul.f32 v36, v18;
	v36 =	vadd.f32 v52, v12;
	v52 =	vld [tilespmem:$0x1F8C0]  }
0x38f: {  	[tilespmem:$0x1FC60] =	vst v33;
	v33 =	vld [tilespmem:$0x1F8E0]  }
0x390: {  	[tilespmem:$0x1FC50] =	vst v37;
	v37 =	vld [tilespmem:$0x1F8D0]  }
0x391: {  	v55 =	vmul.f32 v55, v18;
	v12 =	vld [tilespmem:s5+$0x83A0]  }
0x392: {  	v5 =	vld [tilespmem:$0x1F910]  }
0x393: {  	v40 =	vadd.f32 v55, v40;
	v55 =	vld [tilespmem:$0x1F9A0]  }
0x394: {  	v8 =	vadd.f32 v30, v8;
	v30 =	vmul.f32 v49, v18;
	v13 =	vadd.f32 v31, v13;
	v31 =	vld [tilespmem:s7+$0x8450]  }
0x395: {  	v11 =	vmul.f32 v52, v18;
	v52 =	vld [tilespmem:s5+$0x8390];
	v49 =	vmul.f32 v37, v18  }
0x396: {  	[tilespmem:$0x1FC80] =	vst v12;
	v12 =	vld [tilespmem:$0x1F920];
	v37 =	vmul.f32 v33, v18;
	v33 =	vmul.f32 v32, v18  }
0x397: {  	v6 =	vadd.f32 v11, v1;
	v11 =	vmul.f32 v7, v18;
	v7 =	vmul.f32 v5, v18;
	v5 =	vld [tilespmem:s5+$0x83F0]  }
0x398: {  	v16 =	vadd.f32 v33, v16;
	v33 =	vld [tilespmem:$0x1F930]  }
0x399: {  	v15 =	vadd.f32 v11, v15;
	v11 =	vld [tilespmem:s5+$0x83D0]  }
0x39a: {  	[tilespmem:$0x1FC70] =	vst v52;
	v52 =	vadd.f32 v37, v14;
	v37 =	vld [tilespmem:s5+$0x83B0]  }
0x39b: {  	v14 =	vmul.f32 v12, v18;
	v12 =	vld [tilespmem:$0x1F940]  }
0x39c: {  	v32 =	vld [tilespmem:s5+$0x83C0]  }
0x39d: {  	[tilespmem:$0x1FCD0] =	vst v5;
	v5 =	vmul.f32 v58, v18;
	v58 =	vld [tilespmem:s2+$0x8410]  }
0x39e: {  	[tilespmem:$0x1FCB0] =	vst v11;
	v11 =	vmul.f32 v44, v18;
	v44 =	vld [tilespmem:s7+$0x8410]  }
0x39f: {  	[tilespmem:$0x1FC90] =	vst v37;
	v37 =	vmul.f32 v33, v18;
	v33 =	vld [tilespmem:s5+$0x83E0]  }
0x3a0: {  	v19 =	vadd.f32 v14, v19;
	v14 =	vmul.f32 v12, v18;
	v12 =	vld [tilespmem:$0x1F960]  }
0x3a1: {  	v17 =	vadd.f32 v7, v17;
	v7 =	vadd.f32 v37, v20;
	v37 =	vld [tilespmem:$0x1F950]  }
0x3a2: {  	v24 =	vadd.f32 v11, v24;
	v11 =	vld [tilespmem:s7+$0x8440]  }
0x3a3: {  	[tilespmem:$0x1FCA0] =	vst v32;
	v32 =	vadd.f32 v14, v22;
	v22 =	vld [tilespmem:s2+$0x8430]  }
0x3a4: {  	v46 =	vmul.f32 v46, v18;
	[tilespmem:$0x1FD70] =	vst v58;
	v58 =	vld [tilespmem:$0x1FA20]  }
0x3a5: {  	[tilespmem:$0x1FCF0] =	vst v44;
	v44 =	vld [tilespmem:s7+$0x8470]  }
0x3a6: {  	v21 =	vadd.f32 v46, v21;
	[tilespmem:$0x1FCC0] =	vst v33;
	v14 =	vmul.f32 v12, v18;
	v33 =	vld [tilespmem:s7+$0x8400];
	v46 =	vmul.f32 v37, v18  }
0x3a7: {  	v37 =	vmul.f32 v42, v18;
	v42 =	vmul.f32 v47, v18;
	v47 =	vld [tilespmem:s7+$0x8420]  }
0x3a8: {  	v25 =	vadd.f32 v14, v25;
	v14 =	vmul.f32 v60, v18;
	v60 =	vld [tilespmem:s2+$0x8420]  }
0x3a9: {  	v23 =	vadd.f32 v46, v23;
	v46 =	vmul.f32 v50, v18;
	v50 =	vmul.f32 v54, v18;
	v54 =	vld [tilespmem:s7+$0x8430]  }
0x3aa: {  	v12 =	vmul.f32 v59, v18;
	v18 =	vld [tilespmem:$0x1FF90]  }
0x3ab: {  	v26 =	vadd.f32 v37, v26;
	v37 =	vld [tilespmem:s7+$0x8460]  }
0x3ac: {  	v20 =	vadd.f32 v42, v27;
	v42 =	vld [tilespmem:$0x1F970]  }
0x3ad: {  	v3 =	vadd.f32 v30, v3;
	v30 =	vadd.f32 v46, v28;
	v46 =	vld [tilespmem:$0x1F980]  }
0x3ae: {  	[tilespmem:$0x1FD20] =	vst v11;
	v11 =	vadd.f32 v50, v0;
	v50 =	vld [tilespmem:$0x1F990]  }
0x3af: {  	[tilespmem:$0x1FD80] =	vst v60;
	v60 =	vld [tilespmem:s6+$0x8430]  }
0x3b0: {  	[tilespmem:$0x1FD10] =	vst v54;
	v54 =	vld [tilespmem:s2+$0x8400]  }
0x3b1: {  	v41 =	vadd.f32 v5, v41;
	v5 =	vadd.f32 v12, v57;
	v57 =	vmul.f32 v39, v18;
	v39 =	vld [tilespmem:s2+$0x8440]  }
0x3b2: {  	[tilespmem:$0x1FD30] =	vst v31;
	v59 =	vmul.f32 v45, v18;
	v45 =	vld [tilespmem:$0x1F9B0]  }
0x3b3: {  	[tilespmem:$0x1FD50] =	vst v44;
	v31 =	vmul.f32 v53, v18;
	v53 =	vld [tilespmem:$0x1F9E0]  }
0x3b4: {  	[tilespmem:$0x1FCE0] =	vst v33;
	v33 =	vmul.f32 v62, v18;
	v44 =	vmul.f32 v61, v18;
	v61 =	vld [tilespmem:s6+$0x8400]  }
0x3b5: {  	v0 =	vmul.f32 v42, v18;
	v28 =	vmul.f32 v63, v18;
	v63 =	vld [tilespmem:s6+$0x8410]  }
0x3b6: {  	v62 =	vmul.f32 v48, v18;
	v42 =	vmul.f32 v56, v18;
	v56 =	vld [tilespmem:$0x1FA10]  }
0x3b7: {  	[tilespmem:$0x1FD40] =	vst v37;
	v37 =	vld [tilespmem:s6+$0x8440]  }
0x3b8: {  	v34 =	vadd.f32 v62, v34;
	v62 =	vld [tilespmem:s2+$0x8450]  }
0x3b9: {  	[tilespmem:$0x1FD00] =	vst v47;
	v47 =	vmul.f32 v46, v18;
	v46 =	vld [tilespmem:s2+$0x8460]  }
0x3ba: {  	v1 =	vmul.f32 v50, v18;
	v50 =	vld [tilespmem:s2+$0x8470]  }
0x3bb: {  	v12 =	vadd.f32 v0, v51;
	v51 =	vld [tilespmem:$0x1F9D0]  }
0x3bc: {  	v0 =	vmul.f32 v55, v18;
	v55 =	vld [tilespmem:$0x1FA00]  }
0x3bd: {  	v43 =	vadd.f32 v14, v43;
	v14 =	vadd.f32 v57, v9;
	v57 =	vld [tilespmem:s6+$0x8420]  }
0x3be: {  	v9 =	vmul.f32 v38, v18;
	v38 =	vld [tilespmem:$0x1FA40]  }
0x3bf: {  	[tilespmem:$0x1FD90] =	vst v22;
	v22 =	vadd.f32 v44, v6;
	v44 =	vld [tilespmem:$0x1FA60]  }
0x3c0: {  	v27 =	vadd.f32 v33, v4;
	v33 =	vadd.f32 v59, v10;
	v59 =	vmul.f32 v58, v18;
	v58 =	vld [tilespmem:$0x1FAD0]  }
0x3c1: {  	v35 =	vadd.f32 v47, v35;
	v47 =	vld [tilespmem:$0x1F9C0]  }
0x3c2: {  	v4 =	vadd.f32 v0, v8;
	v8 =	vadd.f32 v42, v3;
	v42 =	vld [tilespmem:s6+$0x8450]  }
0x3c3: {  	[tilespmem:$0x1FD60] =	vst v54;
	v54 =	vld [tilespmem:$0x1F9F0]  }
0x3c4: {  	[tilespmem:$0x1FDA0] =	vst v39;
	v39 =	vld [tilespmem:$0x1FA50]  }
0x3c5: {  	v29 =	vadd.f32 v1, v29;
	v1 =	vmul.f32 v53, v18;
	v53 =	vld [tilespmem:$0x1FAA0]  }
0x3c6: {  	v49 =	vadd.f32 v49, v2;
	v0 =	vmul.f32 v45, v18;
	[tilespmem:$0x1FDF0] =	vst v37;
	v37 =	vld [tilespmem:$0x1FAF0]  }
0x3c7: {  	[tilespmem:$0x1FDB0] =	vst v46;
	v46 =	vld [tilespmem:s6+$0x8460]  }
0x3c8: {  	v36 =	vadd.f32 v28, v36;
	v28 =	vadd.f32 v0, v49;
	v49 =	vld [tilespmem:s6+$0x8470]  }
0x3c9: {  	[tilespmem:$0x1FDC0] =	vst v50;
	v50 =	vld [tilespmem:$0x1FA80]  }
0x3ca: {  	v0 =	vmul.f32 v51, v18;
	v51 =	vld [tilespmem:$0x1FA90]  }
0x3cb: {  	v3 =	vmul.f32 v55, v18;
	v55 =	vld [tilespmem:s5+$0x8410]  }
0x3cc: {  	[tilespmem:$0x1FDD0] =	vst v57;
	v57 =	vld [tilespmem:s5+$0x8420]  }
0x3cd: {  	v21 =	vadd.f32 v59, v21;
	v59 =	vmul.f32 v58, v18;
	v58 =	vld [tilespmem:$0x1FB50]  }
0x3ce: {  	v45 =	vmul.f32 v44, v18;
	v44 =	vld [tilespmem:$0x1FB70]  }
0x3cf: {  	v48 =	vmul.f32 v47, v18;
	v47 =	vld [tilespmem:$0x1FA70]  }
0x3d0: {  	v15 =	vadd.f32 v0, v15;
	v0 =	vmul.f32 v56, v18;
	v56 =	vld [tilespmem:$0x1FAC0]  }
0x3d1: {  	v6 =	vadd.f32 v1, v16;
	v16 =	vadd.f32 v3, v19;
	v19 =	vld [tilespmem:s5+$0x8430]  }
0x3d2: {  	v26 =	vadd.f32 v45, v26;
	v45 =	vld [tilespmem:s5+$0x8440]  }
0x3d3: {  	[tilespmem:$0x1FE00] =	vst v42;
	v42 =	vld [tilespmem:s7+$0x84E0]  }
0x3d4: {  	v2 =	vmul.f32 v54, v18;
	v54 =	vld [tilespmem:$0x1FAB0]  }
0x3d5: {  	v3 =	vmul.f32 v39, v18;
	v39 =	vld [tilespmem:s7+$0x84A0]  }
0x3d6: {  	v13 =	vadd.f32 v31, v13;
	v31 =	vadd.f32 v0, v7;
	v7 =	vld [tilespmem:$0x1FA30]  }
0x3d7: {  	v10 =	vadd.f32 v48, v52;
	v52 =	vld [tilespmem:s5+$0x8400]  }
0x3d8: {  	[tilespmem:$0x1FE10] =	vst v46;
	v46 =	vld [tilespmem:$0x1FB00]  }
0x3d9: {  	[tilespmem:$0x1FE20] =	vst v49;
	v49 =	vld [tilespmem:s5+$0x8450]  }
0x3da: {  	[tilespmem:$0x1FE40] =	vst v55;
	v55 =	vld [tilespmem:s5+$0x8470];
	v48 =	vmul.f32 v47, v18  }
0x3db: {  	v0 =	vmul.f32 v7, v18;
	v7 =	vadd.f32 v9, v23;
	v23 =	vld [tilespmem:$0x1FAE0]  }
0x3dc: {  	v17 =	vadd.f32 v2, v17;
	v2 =	vmul.f32 v38, v18;
	v20 =	vadd.f32 v48, v20;
	v48 =	vld [tilespmem:$0x1FB10]  }
0x3dd: {  	v25 =	vadd.f32 v3, v25;
	[tilespmem:$0x1FE30] =	vst v52;
	v52 =	vld [tilespmem:s5+$0x8460];
	v32 =	vadd.f32 v0, v32;
	v0 =	vmul.f32 v50, v18  }
0x3de: {  	v1 =	vmul.f32 v51, v18;
	v9 =	vadd.f32 v2, v24;
	v2 =	vmul.f32 v53, v18;
	v53 =	vld [tilespmem:$0x1FB30]  }
0x3df: {  	v3 =	vmul.f32 v54, v18;
	v30 =	vadd.f32 v0, v30;
	v0 =	vmul.f32 v56, v18;
	v18 =	vld [tilespmem:$0x1FFA0]  }
0x3e0: {  	[tilespmem:$0x1FEB0] =	vst v55;
	v55 =	vld [tilespmem:$0x1FBC0]  }
0x3e1: {  	v50 =	vld [tilespmem:$0x1FB20]  }
0x3e2: {  	v2 =	vadd.f32 v2, v40;
	v40 =	vadd.f32 v59, v43;
	v43 =	vld [tilespmem:s2+$0x84A0]  }
0x3e3: {  	v56 =	vld [tilespmem:$0x1FB40]  }
0x3e4: {  	v38 =	vmul.f32 v37, v18;
	v37 =	vld [tilespmem:s7+$0x8480]  }
0x3e5: {  	v47 =	vmul.f32 v46, v18;
	v46 =	vld [tilespmem:$0x1FB80]  }
0x3e6: {  	[tilespmem:$0x1FDE0] =	vst v60;
	v60 =	vadd.f32 v0, v5;
	v0 =	vmul.f32 v48, v18;
	v48 =	vld [tilespmem:$0x1FB90]  }
0x3e7: {  	v51 =	vmul.f32 v50, v18;
	v54 =	vmul.f32 v53, v18;
	v53 =	vld [tilespmem:$0x1FBB0]  }
0x3e8: {  	v59 =	vmul.f32 v58, v18;
	v58 =	vld [tilespmem:$0x1FBE0]  }
0x3e9: {  	[tilespmem:$0x1FE50] =	vst v57;
	v24 =	vmul.f32 v23, v18;
	v57 =	vmul.f32 v56, v18;
	v50 =	vadd.f32 v51, v4;
	v4 =	vld [tilespmem:$0x1FB60]  }
0x3ea: {  	v51 =	vld [tilespmem:$0x1FBA0]  }
0x3eb: {  	v5 =	vadd.f32 v24, v27;
	v27 =	vadd.f32 v57, v33;
	v57 =	vld [tilespmem:$0x1FBD0]  }
0x3ec: {  	[tilespmem:$0x1FE70] =	vst v45;
	v45 =	vmul.f32 v44, v18;
	v56 =	vmul.f32 v55, v18;
	v44 =	vld [tilespmem:s2+$0x8480]  }
0x3ed: {  	v12 =	vadd.f32 v38, v12;
	v38 =	vld [tilespmem:s7+$0x8490]  }
0x3ee: {  	[tilespmem:$0x1FE60] =	vst v19;
	v15 =	vadd.f32 v56, v15;
	v56 =	vld [tilespmem:$0x1FC50]  }
0x3ef: {  	[tilespmem:$0x1FEA0] =	vst v52;
	v19 =	vadd.f32 v0, v29;
	v23 =	vmul.f32 v4, v18;
	v52 =	vmul.f32 v51, v18;
	v4 =	vld [tilespmem:$0x1FBF0]  }
0x3f0: {  	v33 =	vadd.f32 v59, v34;
	v59 =	vmul.f32 v58, v18;
	v58 =	vld [tilespmem:$0x1FC60];
	v0 =	vmul.f32 v57, v18  }
0x3f1: {  	v14 =	vadd.f32 v54, v14;
	v54 =	vmul.f32 v53, v18;
	v28 =	vadd.f32 v52, v28;
	v52 =	vld [tilespmem:$0x1FC20]  }
0x3f2: {  	v29 =	vadd.f32 v23, v36;
	v23 =	vadd.f32 v0, v6;
	v6 =	vld [tilespmem:$0x1FC00]  }
0x3f3: {  	v10 =	vadd.f32 v54, v10;
	v54 =	vld [tilespmem:$0x1FC40]  }
0x3f4: {  	v53 =	vld [tilespmem:$0x1FC30];
	v0 =	vmul.f32 v4, v18  }
0x3f5: {  	v3 =	vadd.f32 v3, v41;
	v41 =	vadd.f32 v47, v35;
	v47 =	vmul.f32 v46, v18;
	v4 =	vld [tilespmem:$0x1FC70]  }
0x3f6: {  	v16 =	vadd.f32 v0, v16;
	v0 =	vmul.f32 v52, v18;
	v52 =	vld [tilespmem:$0x1FCB0]  }
0x3f7: {  	v24 =	vadd.f32 v47, v8;
	v8 =	vmul.f32 v6, v18;
	v6 =	vld [tilespmem:$0x1FC80]  }
0x3f8: {  	v17 =	vadd.f32 v59, v17;
	v47 =	vld [tilespmem:$0x1FC10];
	v59 =	vmul.f32 v58, v18;
	v55 =	vmul.f32 v54, v18  }
0x3f9: {  	v11 =	vadd.f32 v1, v11;
	v31 =	vadd.f32 v8, v31;
	v8 =	vld [tilespmem:$0x1FC90]  }
0x3fa: {  	v1 =	vmul.f32 v53, v18;
	v54 =	vadd.f32 v55, v9;
	v55 =	vadd.f32 v59, v26;
	v26 =	vld [tilespmem:$0x1FCA0]  }
0x3fb: {  	v32 =	vadd.f32 v0, v32;
	v0 =	vmul.f32 v4, v18;
	v4 =	vld [tilespmem:$0x1FCC0];
	v59 =	vmul.f32 v52, v18  }
0x3fc: {  	v35 =	vadd.f32 v1, v7;
	v7 =	vmul.f32 v6, v18;
	v6 =	vld [tilespmem:$0x1FCD0]  }
0x3fd: {  	v59 =	vadd.f32 v59, v3;
	v3 =	vld [tilespmem:$0x1FFB0]  }
0x3fe: {  	[tilespmem:$0x1FE80] =	vst v49;
	v13 =	vadd.f32 v45, v13;
	v49 =	vmul.f32 v48, v18;
	v1 =	vmul.f32 v8, v18;
	v8 =	vld [tilespmem:$0x1FCF0]  }
0x3ff: {  	v45 =	vld [tilespmem:s7+$0x84C0];
	v57 =	vmul.f32 v56, v18;
	v56 =	vadd.f32 v0, v20;
	v0 =	vmul.f32 v26, v18  }
0x400: {  	v34 =	vld [tilespmem:s2+$0x84C0];
	v22 =	vadd.f32 v49, v22  }
0x401: {  	v46 =	vld [tilespmem:s2+$0x8490];
	v0 =	vadd.f32 v0, v2;
	v58 =	vadd.f32 v1, v11;
	v1 =	vmul.f32 v6, v18  }
0x402: {  	v49 =	vld [tilespmem:s7+$0x84D0];
	v53 =	vadd.f32 v57, v25;
	v48 =	vmul.f32 v47, v18;
	v57 =	vadd.f32 v7, v30  }
0x403: {  	[tilespmem:$0x1FE90] =	vst v0;
	v0 =	vmul.f32 v4, v18;
	v18 =	vmul.f32 v8, v3;
	v30 =	vadd.f32 v1, v40;
	v40 =	vld [tilespmem:$0x1FD00]  }
0x404: {  	v7 =	vld [tilespmem:$0x1FCE0]  }
0x405: {  	v6 =	vadd.f32 v18, v12;
	v12 =	vld [tilespmem:$0x1FD10]  }
0x406: {  	v51 =	vld [tilespmem:s7+$0x84F0]  }
0x407: {  	v8 =	vld [tilespmem:$0x1FD50]  }
0x408: {  	v36 =	vld [tilespmem:s7+$0x84B0];
	v52 =	vmul.f32 v40, v3  }
0x409: {  	v25 =	vld [tilespmem:s6+$0x8490]  }
0x40a: {  	v2 =	vmul.f32 v7, v3;
	v18 =	vmul.f32 v12, v3;
	v1 =	vadd.f32 v52, v41;
	v52 =	vld [tilespmem:$0x1FD30]  }
0x40b: {  	v47 =	vld [tilespmem:s2+$0x84B0]  }
0x40c: {  	v26 =	vld [tilespmem:$0x1FD20];
	v4 =	vadd.f32 v2, v5;
	v5 =	vadd.f32 v18, v19;
	v18 =	vmul.f32 v8, v3  }
0x40d: {  	v7 =	vld [tilespmem:$0x1FD40]  }
0x40e: {  	v18 =	vadd.f32 v18, v33;
	v33 =	vld [tilespmem:$0x1FD70]  }
0x40f: {  	v21 =	vadd.f32 v48, v21;
	v48 =	vld [tilespmem:s2+$0x84D0];
	v60 =	vadd.f32 v0, v60;
	v0 =	vmul.f32 v52, v3  }
0x410: {  	v9 =	vld [tilespmem:s2+$0x84F0]  }
0x411: {  	[tilespmem:$0x1FEC0] =	vst v30;
	v30 =	vmul.f32 v26, v3;
	v8 =	vadd.f32 v0, v14;
	v14 =	vld [tilespmem:$0x1FD60]  }
0x412: {  	v20 =	vld [tilespmem:s2+$0x84E0]  }
0x413: {  	v11 =	vld [tilespmem:s6+$0x8480];
	v19 =	vmul.f32 v7, v3;
	v7 =	vadd.f32 v30, v50;
	v50 =	vmul.f32 v33, v3  }
0x414: {  	v62 =	vmul.f32 v62, v3;
	v26 =	vld [tilespmem:s6+$0x84D0]  }
0x415: {  	v13 =	vadd.f32 v50, v13;
	v50 =	vld [tilespmem:$0x1FDA0]  }
0x416: {  	v10 =	vadd.f32 v62, v10;
	v62 =	vld [tilespmem:s5+$0x84B0];
	v30 =	vmul.f32 v14, v3  }
0x417: {  	v2 =	vld [tilespmem:$0x1FFC0]  }
0x418: {  	v14 =	vadd.f32 v30, v29;
	v30 =	vld [tilespmem:$0x1FD90]  }
0x419: {  	v40 =	vld [tilespmem:s6+$0x84A0]  }
0x41a: {  	v12 =	vld [tilespmem:s6+$0x84B0];
	v19 =	vadd.f32 v19, v27;
	v27 =	vmul.f32 v50, v3  }
0x41b: {  	v41 =	vld [tilespmem:s6+$0x84E0]  }
0x41c: {  	v37 =	vmul.f32 v37, v2;
	v38 =	vmul.f32 v38, v2;
	v27 =	vadd.f32 v27, v28;
	v28 =	vld [tilespmem:$0x1FDC0]  }
0x41d: {  	v29 =	vld [tilespmem:$0x1FD80];
	v0 =	vmul.f32 v30, v3  }
0x41e: {  	v37 =	vadd.f32 v37, v4;
	v4 =	vadd.f32 v38, v6;
	v38 =	vld [tilespmem:$0x1FDD0]  }
0x41f: {  	v0 =	vadd.f32 v0, v22;
	v22 =	vld [tilespmem:$0x1FDB0]  }
0x420: {  	v52 =	vld [tilespmem:s6+$0x84C0]  }
0x421: {  	v33 =	vld [tilespmem:s6+$0x84F0];
	v28 =	vmul.f32 v28, v3  }
0x422: {  	v50 =	vld [tilespmem:s5+$0x8490];
	v29 =	vmul.f32 v29, v3  }
0x423: {  	v30 =	vld [tilespmem:s5+$0x8480];
	v23 =	vadd.f32 v28, v23;
	v28 =	vmul.f32 v63, v3  }
0x424: {  	v24 =	vadd.f32 v29, v24;
	v29 =	vld [tilespmem:s5+$0x84A0];
	v22 =	vmul.f32 v22, v3  }
0x425: {  	v49 =	vmul.f32 v49, v2;
	v63 =	vld [tilespmem:s5+$0x84D0];
	v16 =	vadd.f32 v28, v16  }
0x426: {  	v28 =	vmul.f32 v36, v2;
	v36 =	vld [tilespmem:s5+$0x84F0];
	v15 =	vadd.f32 v22, v15;
	v22 =	vmul.f32 v61, v3  }
0x427: {  	v6 =	vmul.f32 v38, v3;
	v49 =	vadd.f32 v49, v8;
	v8 =	vmul.f32 v51, v2;
	v61 =	vld [tilespmem:s5+$0x84C0]  }
0x428: {  	v5 =	vadd.f32 v28, v5;
	v17 =	vadd.f32 v22, v17;
	v22 =	vmul.f32 v39, v2;
	v39 =	vld [tilespmem:s5+$0x84E0];
	[tilespmem:s0+$0x12180] =	vst v37  }
0x429: {  	v51 =	vmul.f32 v48, v2;
	v28 =	vmul.f32 v44, v2;
	[tilespmem:s0+$0x12190] =	vst v4  }
0x42a: {  	[tilespmem:s0+$0x121B0] =	vst v5;
	v5 =	vadd.f32 v8, v18;
	v1 =	vadd.f32 v22, v1;
	v22 =	vmul.f32 v45, v2;
	v45 =	vld [tilespmem:$0x1FDE0]  }
0x42b: {  	v44 =	vmul.f32 v47, v2;
	v47 =	vmul.f32 v34, v2;
	[tilespmem:s0+$0x121D0] =	vst v49;
	v49 =	vld [tilespmem:$0x1FE20];
	v14 =	vadd.f32 v28, v14  }
0x42c: {  	v50 =	vmul.f32 v50, v2;
	v48 =	vmul.f32 v30, v2;
	[tilespmem:s0+$0x121F0] =	vst v5;
	v37 =	vadd.f32 v22, v7  }
0x42d: {  	v0 =	vadd.f32 v44, v0;
	v28 =	vmul.f32 v25, v2;
	[tilespmem:s29+$0x12180] =	vst v14;
	v14 =	vadd.f32 v47, v27;
	v27 =	vld [tilespmem:$0x1FE40]  }
0x42e: {  	v31 =	vadd.f32 v6, v31;
	v34 =	vmul.f32 v12, v2;
	v18 =	vmul.f32 v20, v2;
	[tilespmem:s0+$0x121C0] =	vst v37;
	v37 =	vld [tilespmem:$0x1FE00]  }
0x42f: {  	v44 =	vmul.f32 v41, v2;
	[tilespmem:s29+$0x121B0] =	vst v0;
	v8 =	vadd.f32 v28, v16;
	v22 =	vld [tilespmem:$0x1FDF0];
	v38 =	vmul.f32 v45, v3  }
0x430: {  	[tilespmem:s0+$0x121A0] =	vst v1;
	v7 =	vadd.f32 v51, v10;
	v5 =	vmul.f32 v49, v3;
	v45 =	vmul.f32 v42, v2  }
0x431: {  	v20 =	vld [tilespmem:$0x1FE30];
	[tilespmem:s29+$0x121C0] =	vst v14;
	v42 =	vmul.f32 v43, v2;
	v21 =	vadd.f32 v38, v21;
	v38 =	vmul.f32 v46, v2  }
0x432: {  	[tilespmem:s26+$0x12190] =	vst v8;
	v5 =	vadd.f32 v5, v53;
	v53 =	vmul.f32 v62, v2;
	v1 =	vadd.f32 v45, v19  }
0x433: {  	[tilespmem:s29+$0x121D0] =	vst v7;
	v19 =	vmul.f32 v9, v2;
	v6 =	vmul.f32 v37, v3;
	v43 =	vadd.f32 v38, v13  }
0x434: {  	v7 =	vmul.f32 v27, v3;
	v4 =	vmul.f32 v22, v3;
	v45 =	vld [tilespmem:$0x1FE10];
	[tilespmem:s0+$0x121E0] =	vst v1;
	v1 =	vadd.f32 v42, v24  }
0x435: {  	v24 =	vmul.f32 v11, v2;
	v0 =	vadd.f32 v19, v23;
	v6 =	vadd.f32 v6, v35;
	[tilespmem:s29+$0x12190] =	vst v43;
	v35 =	vld [tilespmem:$0x1FE50]  }
0x436: {  	v47 =	vld [tilespmem:$0x1FE70];
	v22 =	vmul.f32 v20, v3;
	v7 =	vadd.f32 v7, v56;
	[tilespmem:s29+$0x121A0] =	vst v1;
	v1 =	vadd.f32 v18, v15  }
0x437: {  	v51 =	vld [tilespmem:$0x1FE90];
	v4 =	vadd.f32 v4, v32;
	v38 =	vmul.f32 v52, v2;
	v10 =	vadd.f32 v24, v17;
	[tilespmem:s29+$0x121F0] =	vst v0  }
0x438: {  	v9 =	vadd.f32 v22, v55;
	v32 =	vmul.f32 v40, v2;
	v40 =	vld [tilespmem:$0x1FE60];
	v0 =	vadd.f32 v34, v21;
	[tilespmem:s29+$0x121E0] =	vst v1  }
0x439: {  	v49 =	vld [tilespmem:$0x1FE80];
	v43 =	vmul.f32 v26, v2;
	v4 =	vadd.f32 v38, v4;
	v46 =	vmul.f32 v45, v3;
	[tilespmem:s26+$0x12180] =	vst v10  }
0x43a: {  	v56 =	vmul.f32 v61, v2;
	v8 =	vadd.f32 v48, v9;
	[tilespmem:s26+$0x121B0] =	vst v0;
	v37 =	vmul.f32 v35, v3  }
0x43b: {  	v6 =	vadd.f32 v43, v6;
	[tilespmem:s26+$0x121C0] =	vst v4;
	v4 =	vmul.f32 v47, v3;
	v13 =	vadd.f32 v46, v54;
	v54 =	vld [tilespmem:$0x1FEA0]  }
0x43c: {  	v1 =	vadd.f32 v32, v31;
	[tilespmem:s3+$0x12180] =	vst v8;
	v46 =	vmul.f32 v33, v2;
	v12 =	vadd.f32 v37, v57;
	v57 =	vld [tilespmem:$0x1FEB0]  }
0x43d: {  	v42 =	vmul.f32 v40, v3;
	[tilespmem:s26+$0x121D0] =	vst v6;
	v4 =	vadd.f32 v4, v51;
	v6 =	vadd.f32 v50, v7  }
0x43e: {  	v62 =	vld [tilespmem:$0x1FEC0];
	[tilespmem:s26+$0x121A0] =	vst v1;
	v1 =	vadd.f32 v44, v13;
	v0 =	vadd.f32 v46, v5;
	v5 =	vmul.f32 v49, v3  }
0x43f: {  	v52 =	vmul.f32 v29, v2;
	v45 =	vadd.f32 v42, v58;
	[tilespmem:s3+$0x12190] =	vst v6  }
0x440: {  	v4 =	vadd.f32 v56, v4;
	[tilespmem:s26+$0x121E0] =	vst v1;
	v5 =	vadd.f32 v5, v59;
	v55 =	vmul.f32 v54, v3  }
0x441: {  	[tilespmem:s26+$0x121F0] =	vst v0;
	v0 =	vadd.f32 v53, v45;
	v59 =	vmul.f32 v63, v2;
	v58 =	vmul.f32 v57, v3  }
0x442: {  	p0 =	sne.s32 s4, $0x7;
	v61 =	vmul.f32 v39, v2;
	[tilespmem:s3+$0x121C0] =	vst v4;
	v1 =	vadd.f32 v52, v12;
	v60 =	vadd.f32 v55, v60  }
.Ltmp0:
0x443: {  	v63 =	vmul.f32 v36, v2;
	v5 =	vadd.f32 v59, v5;
	[tilespmem:s3+$0x121B0] =	vst v0;
	v7 =	vadd.f32 v58, v62;
	(pc) =	sbr.rel @p0 .LBB2_3-.Ltmp0, $4  }
0x444: {  	[tilespmem:s3+$0x121A0] =	vst v1;
	v1 =	vadd.f32 v61, v60  }
0x445: {  	[tilespmem:s3+$0x121D0] =	vst v5;
	v0 =	vadd.f32 v63, v7  }
0x446: {  	[tilespmem:s3+$0x121E0] =	vst v1  }
0x447: {  	s4 =	sadd.s32 $0x1, s4;
	[tilespmem:s3+$0x121F0] =	vst v0  }
0x448: {  	s24 =	sadd.s32 $0x1, s24  }
0x449: {  	s0 =	rddreg [dreg:$0x3];
	p0 =	sne.s32 s24, $0x200  }
.Ltmp1:
0x44a: {  	s29 =	simm.s32 $0x12100;
	s0 =	sadd.s32 s0, s1;
	(pc) =	sbr.rel @p0 .LBB2_2-.Ltmp1, $4  }
0x44b: {  	[hbm4b:s0+s28] =	stream.strided.scatter [tilespmem:s29], [sflag:$0x2], $0x2000, s31, s28, $0x38;
	[tilespmem:$0x14100] =	vst v63  }
0x44c: {  	_ =	swait.ge [sflag:s25], $0x2000  }
0x44d: {  	[sflag:s25] =	ssyncset.done $0x0  }
0x44e: {  	[sflag:s25] =	ssyncadd.s32 $0xFFFFE000  }
0x44f: {  	s6 =	rddreg [dreg:$0x5]  }
0x450: {  	s0 =	rddreg [dreg:$0x9];
	s6 =	sadd.s32 $0x1, s6  }
0x451: {  	p0 =	sne.s32 s6, s0  }
.Ltmp2:
0x452: {  	_ = 	snop;
	(pc) =	sbr.rel @p0 .LBB2_1-.Ltmp2, $1  }
0x453: {  	_ =	sdelay $0x3  }
0x454: {  	_ =	sfence.sel $0x180000  }
0x455: {  	[bflag:$0x0] =	sbarrier.arrive $0xFFFF  }
0x456: {  	_ =	strace $0x90000047  }
0x457: {  	s0 =	stileid.u32;
	[bflag:$0x2] =	sbarrier.arrive $0xFFFF  }
0x458: {  	p0 =	sne.s32 s0, $0x0;
	s0 =	rddreg [dreg:$0x4]  }
0x459: {  	s0 =	sadd.s32 @!p0 $0x100000, s0  }
0x45a: {  	[sflag:s0] =	ssyncadd.tile.s32 @!p0 $0x1;
	_ =	shalt  }
.Lfunc_end2:
_tile_overlayer_lowered:
.L_overlay_start_2:
0x45b: {  	(tag) =	ssettag $0x2  }
0x45c: {  	s0 =	rddreg [dreg:$0x0];
	s2 =	stileid.u32  }
0x45d: {  	s1 =	rddreg [dreg:$0x1];
	p0 =	sne.s32 s2, $0x0  }
0x45e: {  	s3 =	rddreg [dreg:$0x2];
	[bflag:$0x3] =	sbarrier.arrive $0xFFFF;
	s2 =	simm.s32 @!p0 $0x1C02  }
0x45f: {  	[timem:s3], [sflag:s2] =	dma.local @!p0 [hbm:s0], s1  }
0x460: {  	s0 =	simm.s32 @!p0 $0x2  }
0x461: {  	_ =	swait.ge @!p0 [sflag:s0], s1  }
0x462: {  	s1 =	ssub.s32 @!p0 $0x0, s1;
	[sflag:s0] =	ssyncset.done @!p0 $0x0  }
0x463: {  	[sflag:s0] =	ssyncadd.s32 @!p0 s1  }
0x464: {  	[bflag:$0x3] =	sbarrier.arrive $0xFFFF  }
0x465: {  	_ =	shalt  }

</sc_bundles>
